<compile_context>
chip_gen: v7x
topology: tpu7x:2x2x1
jax: 0.10.2.dev20260603
libtpu: 0.0.44.dev20260713+nightly
codegen_flags: <defaults>
</compile_context>

<pallas_src>
import functools

import jax
import jax.numpy as jnp
from jax import lax
from jax.experimental import pallas as pl
from jax.experimental.pallas import tpu as pltpu
from jax.experimental.pallas import tpu_sc as plsc

N = 10000
E = 320000
DF = 128
DH = 64

NC, NS = 2, 16
NW = NC * NS
CHUNK = 128
CPW = 79
EPW = CPW * CHUNK
EP = NW * EPW
ROWS = 10112
RPT = ROWS // NS

W1 = 80
W2 = 64

RB = 2000
GRID = N // RB


def _make_sc_agg(width, nbuf):
    NBUF = nbuf
    mesh = plsc.VectorSubcoreMesh(
        core_axis_name="c", subcore_axis_name="s", num_cores=NC, num_subcores=NS
    )

    @functools.partial(
        pl.kernel,
        out_type=jax.ShapeDtypeStruct((NC, ROWS, width), jnp.float32),
        mesh=mesh,
        scratch_types=[
            pltpu.VMEM((CPW, CHUNK), jnp.int32),
            pltpu.VMEM((CPW, CHUNK), jnp.int32),
            pltpu.VMEM((NBUF, CHUNK, width), jnp.float32),
            pltpu.VMEM_SHARED((ROWS, width), jnp.float32),
            pltpu.SemaphoreType.DMA,
            pltpu.SemaphoreType.DMA,
        ],
        compiler_params=pltpu.CompilerParams(use_tc_tiling_on_sc=False),
    )
    def sc_agg(table_hbm, src_hbm, dst_hbm, zeros_hbm, out_hbm,
               src_v, dst_v, rows_v, acc_sh, sem_g, sem_s):
        cid = lax.axis_index("c")
        sid = lax.axis_index("s")
        wid = sid * NC + cid
        row0 = sid * RPT

        pltpu.sync_copy(zeros_hbm.at[pl.ds(row0, RPT)], acc_sh.at[pl.ds(row0, RPT)])
        pltpu.sync_copy(src_hbm.at[wid], src_v)
        pltpu.sync_copy(dst_hbm.at[wid], dst_v)
        plsc.subcore_barrier()

        for b in range(NBUF - 1):
            pltpu.async_copy(table_hbm.at[src_v.at[b]], rows_v.at[b], sem_g)

        def body(c, carry):
            buf = lax.rem(c, NBUF)
            pltpu.make_async_copy(table_hbm.at[src_v.at[c]],
                                  rows_v.at[buf], sem_g).wait()

            @pl.when(c + NBUF - 1 < CPW)
            def _():
                pltpu.async_copy(table_hbm.at[src_v.at[c + NBUF - 1]],
                                 rows_v.at[lax.rem(c + NBUF - 1, NBUF)], sem_g)

            pltpu.sync_copy(rows_v.at[buf], acc_sh.at[dst_v.at[c]], add=True)
            return carry
        lax.fori_loop(0, CPW, body, 0)

        plsc.subcore_barrier()
        pltpu.sync_copy(acc_sh.at[pl.ds(row0, RPT)], out_hbm.at[cid, pl.ds(row0, RPT)])

    return sc_agg


_sc_agg80 = _make_sc_agg(W1, 4)
_sc_agg64 = _make_sc_agg(W2, 6)


def _t1_body(x_ref, w_ref, o_ref):
    y = jnp.dot(x_ref[...], w_ref[...], preferred_element_type=jnp.float32)
    col = lax.broadcasted_iota(jnp.int32, (RB, W1 - DH), 1)
    pad = jnp.where(col == 0, jnp.float32(1), jnp.float32(0))
    o_ref[...] = jnp.concatenate([y, pad], axis=1)


_t1 = pl.pallas_call(
    _t1_body,
    grid=(GRID,),
    in_specs=[
        pl.BlockSpec((RB, DF), lambda i: (i, 0)),
        pl.BlockSpec((DF, DH), lambda i: (0, 0)),
    ],
    out_specs=pl.BlockSpec((RB, W1), lambda i: (i, 0)),
    out_shape=jax.ShapeDtypeStruct((N, W1), jnp.float32),
)


def _c_body(acc_ref, x_ref, w1r_ref, b1_ref, wlin_ref, blin_ref,
            w2l_ref, w2r_ref, b2_ref, y2_ref, z2_ref, cnt_ref):
    acc = acc_ref[...]
    feat = acc[0, :, 0:DH] + acc[1, :, 0:DH]
    cnt = jnp.maximum(acc[0, :, DH] + acc[1, :, DH], 1.0)
    agg = feat / cnt[:, None]
    xb = x_ref[...]
    pre = agg + jnp.dot(xb, w1r_ref[...], preferred_element_type=jnp.float32) + b1_ref[...]
    nrm = jnp.sqrt(jnp.sum(pre * pre, axis=1, keepdims=True))
    hidden = jnp.maximum(pre / jnp.maximum(nrm, 1e-12), 0.0)
    wl = wlin_ref[...]
    h = jnp.maximum(
        jnp.dot(xb, wl[0:DF], preferred_element_type=jnp.float32)
        + jnp.dot(hidden, wl[DF:DF + DH], preferred_element_type=jnp.float32)
        + blin_ref[...],
        0.0,
    )
    y2_ref[...] = jnp.dot(h, w2l_ref[...], preferred_element_type=jnp.float32)
    z2_ref[...] = jnp.dot(h, w2r_ref[...], preferred_element_type=jnp.float32) + b2_ref[...]
    cnt_ref[...] = jnp.broadcast_to(cnt[:, None], (RB, 8))


_combine1 = pl.pallas_call(
    _c_body,
    grid=(GRID,),
    in_specs=[
        pl.BlockSpec((NC, RB, W1), lambda i: (0, i, 0)),
        pl.BlockSpec((RB, DF), lambda i: (i, 0)),
        pl.BlockSpec((DF, DH), lambda i: (0, 0)),
        pl.BlockSpec((1, DH), lambda i: (0, 0)),
        pl.BlockSpec((DF + DH, DH), lambda i: (0, 0)),
        pl.BlockSpec((1, DH), lambda i: (0, 0)),
        pl.BlockSpec((DH, DH), lambda i: (0, 0)),
        pl.BlockSpec((DH, DH), lambda i: (0, 0)),
        pl.BlockSpec((1, DH), lambda i: (0, 0)),
    ],
    out_specs=[
        pl.BlockSpec((RB, DH), lambda i: (i, 0)),
        pl.BlockSpec((RB, DH), lambda i: (i, 0)),
        pl.BlockSpec((RB, 8), lambda i: (i, 0)),
    ],
    out_shape=[
        jax.ShapeDtypeStruct((N, DH), jnp.float32),
        jax.ShapeDtypeStruct((N, DH), jnp.float32),
        jax.ShapeDtypeStruct((N, 8), jnp.float32),
    ],
)


def _e_body(acc_ref, z2_ref, cnt_ref, o_ref):
    acc = acc_ref[...]
    feat = acc[0] + acc[1]
    cnt = cnt_ref[...][:, 0]
    o = feat / cnt[:, None] + z2_ref[...]
    nrm = jnp.sqrt(jnp.sum(o * o, axis=1, keepdims=True))
    o_ref[...] = o / jnp.maximum(nrm, 1e-12)


_combine2 = pl.pallas_call(
    _e_body,
    grid=(GRID,),
    in_specs=[
        pl.BlockSpec((NC, RB, W2), lambda i: (0, i, 0)),
        pl.BlockSpec((RB, DH), lambda i: (i, 0)),
        pl.BlockSpec((RB, 8), lambda i: (i, 0)),
    ],
    out_specs=pl.BlockSpec((RB, DH), lambda i: (i, 0)),
    out_shape=jax.ShapeDtypeStruct((N, DH), jnp.float32),
)


def kernel(x, edge_index, W1_l, b1_l, W1_r, W_lin, b_lin, W2_l, b2_l, W2_r):
    ei = edge_index.astype(jnp.int32)
    ppw = EPW - E // NW
    pad_dst = jnp.broadcast_to(N + jnp.arange(ppw, dtype=jnp.int32)[None, :], (NW, ppw))
    src = jnp.pad(ei[0].reshape(NW, E // NW), ((0, 0), (0, ppw))).reshape(NW, CPW, CHUNK)
    dst = jnp.concatenate([ei[1].reshape(NW, E // NW), pad_dst], axis=1).reshape(NW, CPW, CHUNK)

    table1 = _t1(x, W1_l)
    acc1 = _sc_agg80(table1, src, dst, jnp.zeros((ROWS, W1), jnp.float32))
    y2, z2, cnt8 = _combine1(
        acc1, x, W1_r, b1_l.reshape(1, DH), W_lin, b_lin.reshape(1, DH),
        W2_l, W2_r, b2_l.reshape(1, DH),
    )
    acc2 = _sc_agg64(y2, src, dst, jnp.zeros((ROWS, W2), jnp.float32))
    return _combine2(acc2, z2, cnt8)

# --- scband reference (transcript-rebuilt; emitter-appended) ---
"""Pipeline reference for scband-sage-68865505624226 (READ-ONLY COPY).

The authoritative reference and input builder live on the scoring server;
editing this copy changes nothing except your own understanding.
"""

import jax, jax.numpy as jnp
import numpy as np

N = 10000
E = 320000
D_FEAT = 128
N_HIDDEN = 64
N_CLASSES = 64


def setup_inputs(seed: int = 0) -> dict:
    key = jax.random.key(seed)
    ks = jax.random.split(key, 12)
    x = jax.random.normal(ks[0], (N, D_FEAT), dtype=jnp.float32)
    edge_index = jax.random.randint(ks[1], (2, E), 0, N, dtype=jnp.int64)
    s1 = 1.0 / np.sqrt(D_FEAT)
    s_lin = 1.0 / np.sqrt(D_FEAT + N_HIDDEN)
    s2 = 1.0 / np.sqrt(N_HIDDEN)
    W1_l = jax.random.uniform(ks[2], (D_FEAT, N_HIDDEN), jnp.float32, -s1, s1)
    b1_l = jax.random.uniform(ks[3], (N_HIDDEN,), jnp.float32, -s1, s1)
    W1_r = jax.random.uniform(ks[4], (D_FEAT, N_HIDDEN), jnp.float32, -s1, s1)
    W_lin = jax.random.uniform(ks[5], (D_FEAT + N_HIDDEN, N_HIDDEN), jnp.float32, -s_lin, s_lin)
    b_lin = jax.random.uniform(ks[6], (N_HIDDEN,), jnp.float32, -s_lin, s_lin)
    W2_l = jax.random.uniform(ks[7], (N_HIDDEN, N_CLASSES), jnp.float32, -s2, s2)
    b2_l = jax.random.uniform(ks[8], (N_CLASSES,), jnp.float32, -s2, s2)
    W2_r = jax.random.uniform(ks[9], (N_HIDDEN, N_CLASSES), jnp.float32, -s2, s2)
    return {"x": x, "edge_index": edge_index, "W1_l": W1_l, "b1_l": b1_l, "W1_r": W1_r,
            "W_lin": W_lin, "b_lin": b_lin, "W2_l": W2_l, "b2_l": b2_l, "W2_r": W2_r}


def _sage_conv(x, edge_index, W_l, b_l, W_r):
    # PyG SAGEConv: aggr='mean', normalize=True
    src = edge_index[0]
    dst = edge_index[1]
    msgs = jnp.take(x, src, axis=0)
    agg_sum = jax.ops.segment_sum(msgs, dst, num_segments=x.shape[0])
    cnt = jax.ops.segment_sum(jnp.ones((edge_index.shape[1],), dtype=x.dtype), dst, num_segments=x.shape[0])
    agg = agg_sum / jnp.clip(cnt, 1.0, None)[:, None]
    out = agg @ W_l + b_l + x @ W_r
    norm = jnp.linalg.norm(out, axis=-1, keepdims=True)
    out = out / jnp.clip(norm, 1e-12, None)
    return out


def reference(x, edge_index, W1_l, b1_l, W1_r, W_lin, b_lin, W2_l, b2_l, W2_r):
    hidden = jax.nn.relu(_sage_conv(x, edge_index, W1_l, b1_l, W1_r))
    h = jax.nn.relu(jnp.concatenate([x, hidden], axis=1) @ W_lin + b_lin)
    # dropout is identity in eval mode
    out = _sage_conv(h, edge_index, W2_l, b2_l, W2_r)
    return out

if __name__ == "__main__":
    import jax
    _d = setup_inputs()
    print(jax.jit(kernel)(*tuple(_d.values())))

</pallas_src>

<mosaic_0001>
#map = affine_map<(d0, d1) -> (0, 0)>
#map1 = affine_map<(d0, d1) -> (0, 0, 0)>
module attributes {stable_mosaic.version = 14 : i64} {
  func.func @sc_agg(%arg0: i32, %arg1: i32, %arg2: memref<10000x80xf32, #tpu.memory_space<hbm>>, %arg3: memref<32x79x128xi32, #tpu.memory_space<hbm>>, %arg4: memref<32x79x128xi32, #tpu.memory_space<hbm>>, %arg5: memref<10112x80xf32, #tpu.memory_space<hbm>>, %arg6: memref<2x10112x80xf32, #tpu.memory_space<hbm>>, %arg7: memref<79x128xi32, #tpu.memory_space<vmem>>, %arg8: memref<79x128xi32, #tpu.memory_space<vmem>>, %arg9: memref<4x128x80xf32, #tpu.memory_space<vmem>>, %arg10: memref<10112x80xf32, #tpu.memory_space<vmem_shared>>, %arg11: memref<!tpu.dma_semaphore, #tpu.memory_space<semaphore_mem>>, %arg12: memref<!tpu.dma_semaphore, #tpu.memory_space<semaphore_mem>>) attributes {dimension_semantics = [#tpu.dimension_semantics<core_parallel>, #tpu.dimension_semantics<subcore_parallel>], iteration_bounds = array<i64: 2, 16>, scalar_prefetch = 0 : i64, scratch_operands = 6 : i64, tpu.core_type = #tpu.core_type<sc_vector_subcore>, window_params = [{transform_indices = #map}, {transform_indices = #map1}, {transform_indices = #map1}, {transform_indices = #map}, {transform_indices = #map1}]} {
    %mul3A = arith.constant 2 : i32
    %mul3A_0 = arith.muli %arg1, %mul3A : i32
    %add3A = arith.addi %mul3A_0, %arg0 : i32
    %mul3A_1 = arith.constant 632 : i32
    %mul3A_2 = arith.muli %arg1, %mul3A_1 : i32
    "tpu.region"() ({
      %run_scoped3A = tpu.sem_alloc : memref<!tpu.dma_semaphore, #tpu.memory_space<semaphore_mem>>
      %dma_start3A_44 = arith.constant 0 : i32
      %dma_start3A_45 = tpu.memref_slice %arg10[%mul3A_2, %dma_start3A_44] : memref<10112x80xf32, #tpu.memory_space<vmem_shared>> -> memref<632x80xf32, #tpu.memory_space<vmem_shared>>
      %dma_start3A_46 = arith.constant 0 : i32
      %dma_start3A_47 = tpu.memref_slice %arg5[%mul3A_2, %dma_start3A_46] : memref<10112x80xf32, #tpu.memory_space<hbm>> -> memref<632x80xf32, #tpu.memory_space<hbm>>
      tpu.enqueue_dma source(%dma_start3A_47 : memref<632x80xf32, #tpu.memory_space<hbm>>) target(%dma_start3A_45 : memref<632x80xf32, #tpu.memory_space<vmem_shared>>) target_semaphore(%run_scoped3A : memref<!tpu.dma_semaphore, #tpu.memory_space<semaphore_mem>>)
      %dma_wait3A = arith.constant 0 : i32
      %dma_wait3A_48 = tpu.memref_slice %arg10[%mul3A_2, %dma_wait3A] : memref<10112x80xf32, #tpu.memory_space<vmem_shared>> -> memref<632x80xf32, #tpu.memory_space<vmem_shared>>
      %dma_wait3A_49 = arith.constant 0 : i32
      %dma_wait3A_50 = tpu.memref_slice %arg5[%mul3A_2, %dma_wait3A_49] : memref<10112x80xf32, #tpu.memory_space<hbm>> -> memref<632x80xf32, #tpu.memory_space<hbm>>
      tpu.wait_dma2 semaphore(%run_scoped3A : memref<!tpu.dma_semaphore, #tpu.memory_space<semaphore_mem>>) src(%dma_wait3A_50 : memref<632x80xf32, #tpu.memory_space<hbm>>) dst(%dma_wait3A_48 : memref<632x80xf32, #tpu.memory_space<vmem_shared>>)
      tpu.yield
    }) : () -> ()
    "tpu.region"() ({
      %run_scoped3A = tpu.sem_alloc : memref<!tpu.dma_semaphore, #tpu.memory_space<semaphore_mem>>
      %dma_start3A_44 = arith.constant 0 : i32
      %dma_start3A_45 = arith.constant 0 : i32
      %dma_start3A_46 = tpu.memref_slice %arg3[%add3A, %dma_start3A_44, %dma_start3A_45] : memref<32x79x128xi32, #tpu.memory_space<hbm>> -> memref<1x79x128xi32, #tpu.memory_space<hbm>>
      %dma_start3A_47 = tpu.memref_squeeze %dma_start3A_46 : memref<1x79x128xi32, #tpu.memory_space<hbm>> -> memref<79x128xi32, #tpu.memory_space<hbm>>
      %dma_start3A_48 = arith.constant 0 : i32
      %dma_start3A_49 = arith.constant 0 : i32
      %dma_start3A_50 = tpu.memref_slice %arg3[%add3A, %dma_start3A_48, %dma_start3A_49] : memref<32x79x128xi32, #tpu.memory_space<hbm>> -> memref<1x79x128xi32, #tpu.memory_space<hbm>>
      %dma_start3A_51 = tpu.memref_squeeze %dma_start3A_50 : memref<1x79x128xi32, #tpu.memory_space<hbm>> -> memref<79x128xi32, #tpu.memory_space<hbm>>
      tpu.enqueue_dma source(%dma_start3A_51 : memref<79x128xi32, #tpu.memory_space<hbm>>) target(%arg7 : memref<79x128xi32, #tpu.memory_space<vmem>>) target_semaphore(%run_scoped3A : memref<!tpu.dma_semaphore, #tpu.memory_space<semaphore_mem>>)
      %dma_wait3A = arith.constant 0 : i32
      %dma_wait3A_52 = arith.constant 0 : i32
      %dma_wait3A_53 = tpu.memref_slice %arg3[%add3A, %dma_wait3A, %dma_wait3A_52] : memref<32x79x128xi32, #tpu.memory_space<hbm>> -> memref<1x79x128xi32, #tpu.memory_space<hbm>>
      %dma_wait3A_54 = tpu.memref_squeeze %dma_wait3A_53 : memref<1x79x128xi32, #tpu.memory_space<hbm>> -> memref<79x128xi32, #tpu.memory_space<hbm>>
      %dma_wait3A_55 = arith.constant 0 : i32
      %dma_wait3A_56 = arith.constant 0 : i32
      %dma_wait3A_57 = tpu.memref_slice %arg3[%add3A, %dma_wait3A_55, %dma_wait3A_56] : memref<32x79x128xi32, #tpu.memory_space<hbm>> -> memref<1x79x128xi32, #tpu.memory_space<hbm>>
      %dma_wait3A_58 = tpu.memref_squeeze %dma_wait3A_57 : memref<1x79x128xi32, #tpu.memory_space<hbm>> -> memref<79x128xi32, #tpu.memory_space<hbm>>
      tpu.wait_dma2 semaphore(%run_scoped3A : memref<!tpu.dma_semaphore, #tpu.memory_space<semaphore_mem>>) src(%dma_wait3A_58 : memref<79x128xi32, #tpu.memory_space<hbm>>) dst(%arg7 : memref<79x128xi32, #tpu.memory_space<vmem>>)
      tpu.yield
    }) : () -> ()
    "tpu.region"() ({
      %run_scoped3A = tpu.sem_alloc : memref<!tpu.dma_semaphore, #tpu.memory_space<semaphore_mem>>
      %dma_start3A_44 = arith.constant 0 : i32
      %dma_start3A_45 = arith.constant 0 : i32
      %dma_start3A_46 = tpu.memref_slice %arg4[%add3A, %dma_start3A_44, %dma_start3A_45] : memref<32x79x128xi32, #tpu.memory_space<hbm>> -> memref<1x79x128xi32, #tpu.memory_space<hbm>>
      %dma_start3A_47 = tpu.memref_squeeze %dma_start3A_46 : memref<1x79x128xi32, #tpu.memory_space<hbm>> -> memref<79x128xi32, #tpu.memory_space<hbm>>
      %dma_start3A_48 = arith.constant 0 : i32
      %dma_start3A_49 = arith.constant 0 : i32
      %dma_start3A_50 = tpu.memref_slice %arg4[%add3A, %dma_start3A_48, %dma_start3A_49] : memref<32x79x128xi32, #tpu.memory_space<hbm>> -> memref<1x79x128xi32, #tpu.memory_space<hbm>>
      %dma_start3A_51 = tpu.memref_squeeze %dma_start3A_50 : memref<1x79x128xi32, #tpu.memory_space<hbm>> -> memref<79x128xi32, #tpu.memory_space<hbm>>
      tpu.enqueue_dma source(%dma_start3A_51 : memref<79x128xi32, #tpu.memory_space<hbm>>) target(%arg8 : memref<79x128xi32, #tpu.memory_space<vmem>>) target_semaphore(%run_scoped3A : memref<!tpu.dma_semaphore, #tpu.memory_space<semaphore_mem>>)
      %dma_wait3A = arith.constant 0 : i32
      %dma_wait3A_52 = arith.constant 0 : i32
      %dma_wait3A_53 = tpu.memref_slice %arg4[%add3A, %dma_wait3A, %dma_wait3A_52] : memref<32x79x128xi32, #tpu.memory_space<hbm>> -> memref<1x79x128xi32, #tpu.memory_space<hbm>>
      %dma_wait3A_54 = tpu.memref_squeeze %dma_wait3A_53 : memref<1x79x128xi32, #tpu.memory_space<hbm>> -> memref<79x128xi32, #tpu.memory_space<hbm>>
      %dma_wait3A_55 = arith.constant 0 : i32
      %dma_wait3A_56 = arith.constant 0 : i32
      %dma_wait3A_57 = tpu.memref_slice %arg4[%add3A, %dma_wait3A_55, %dma_wait3A_56] : memref<32x79x128xi32, #tpu.memory_space<hbm>> -> memref<1x79x128xi32, #tpu.memory_space<hbm>>
      %dma_wait3A_58 = tpu.memref_squeeze %dma_wait3A_57 : memref<1x79x128xi32, #tpu.memory_space<hbm>> -> memref<79x128xi32, #tpu.memory_space<hbm>>
      tpu.wait_dma2 semaphore(%run_scoped3A : memref<!tpu.dma_semaphore, #tpu.memory_space<semaphore_mem>>) src(%dma_wait3A_58 : memref<79x128xi32, #tpu.memory_space<hbm>>) dst(%arg8 : memref<79x128xi32, #tpu.memory_space<vmem>>)
      tpu.yield
    }) : () -> ()
    %barrier3A = arith.constant 0 : index
    tpu.barrier barrier_id(%barrier3A)
    %dma_start3A = arith.constant 0 : i32
    %dma_start3A_3 = arith.constant 0 : i32
    %dma_start3A_4 = arith.constant 0 : i32
    %dma_start3A_5 = arith.constant 0 : i32
    %dma_start3A_6 = tpu.memref_slice %arg9[%dma_start3A_3, %dma_start3A_4, %dma_start3A_5] : memref<4x128x80xf32, #tpu.memory_space<vmem>> -> memref<1x128x80xf32, #tpu.memory_space<vmem>>
    %dma_start3A_7 = tpu.memref_squeeze %dma_start3A_6 : memref<1x128x80xf32, #tpu.memory_space<vmem>> -> memref<128x80xf32, #tpu.memory_space<vmem>>
    %dma_start3A_8 = arith.constant 0 : i32
    %dma_start3A_9 = tpu.memref_slice %arg7[%dma_start3A, %dma_start3A_8] : memref<79x128xi32, #tpu.memory_space<vmem>> -> memref<1x128xi32, #tpu.memory_space<vmem>>
    %dma_start3A_10 = tpu.memref_squeeze %dma_start3A_9 : memref<1x128xi32, #tpu.memory_space<vmem>> -> memref<128xi32, #tpu.memory_space<vmem>>
    %dma_start3A_11 = arith.constant 0 : i32
    %dma_start3A_12 = arith.constant 0 : i32
    %dma_start3A_13 = tpu.memref_slice %arg2[%dma_start3A_11, %dma_start3A_12] : memref<10000x80xf32, #tpu.memory_space<hbm>> -> memref<10000x80xf32, #tpu.memory_space<hbm>>
    tpu.enqueue_indirect_dma source(%dma_start3A_13 : memref<10000x80xf32, #tpu.memory_space<hbm>>) target(%dma_start3A_7 : memref<128x80xf32, #tpu.memory_space<vmem>>) offsets(%dma_start3A_10 : memref<128xi32, #tpu.memory_space<vmem>>) semaphore(%arg11 : memref<!tpu.dma_semaphore, #tpu.memory_space<semaphore_mem>>)
    %dma_start3A_14 = arith.constant 1 : i32
    %dma_start3A_15 = arith.constant 1 : i32
    %dma_start3A_16 = arith.constant 0 : i32
    %dma_start3A_17 = arith.constant 0 : i32
    %dma_start3A_18 = tpu.memref_slice %arg9[%dma_start3A_15, %dma_start3A_16, %dma_start3A_17] : memref<4x128x80xf32, #tpu.memory_space<vmem>> -> memref<1x128x80xf32, #tpu.memory_space<vmem>>
    %dma_start3A_19 = tpu.memref_squeeze %dma_start3A_18 : memref<1x128x80xf32, #tpu.memory_space<vmem>> -> memref<128x80xf32, #tpu.memory_space<vmem>>
    %dma_start3A_20 = arith.constant 0 : i32
    %dma_start3A_21 = tpu.memref_slice %arg7[%dma_start3A_14, %dma_start3A_20] : memref<79x128xi32, #tpu.memory_space<vmem>> -> memref<1x128xi32, #tpu.memory_space<vmem>>
    %dma_start3A_22 = tpu.memref_squeeze %dma_start3A_21 : memref<1x128xi32, #tpu.memory_space<vmem>> -> memref<128xi32, #tpu.memory_space<vmem>>
    %dma_start3A_23 = arith.constant 0 : i32
    %dma_start3A_24 = arith.constant 0 : i32
    %dma_start3A_25 = tpu.memref_slice %arg2[%dma_start3A_23, %dma_start3A_24] : memref<10000x80xf32, #tpu.memory_space<hbm>> -> memref<10000x80xf32, #tpu.memory_space<hbm>>
    tpu.enqueue_indirect_dma source(%dma_start3A_25 : memref<10000x80xf32, #tpu.memory_space<hbm>>) target(%dma_start3A_19 : memref<128x80xf32, #tpu.memory_space<vmem>>) offsets(%dma_start3A_22 : memref<128xi32, #tpu.memory_space<vmem>>) semaphore(%arg11 : memref<!tpu.dma_semaphore, #tpu.memory_space<semaphore_mem>>)
    %dma_start3A_26 = arith.constant 2 : i32
    %dma_start3A_27 = arith.constant 2 : i32
    %dma_start3A_28 = arith.constant 0 : i32
    %dma_start3A_29 = arith.constant 0 : i32
    %dma_start3A_30 = tpu.memref_slice %arg9[%dma_start3A_27, %dma_start3A_28, %dma_start3A_29] : memref<4x128x80xf32, #tpu.memory_space<vmem>> -> memref<1x128x80xf32, #tpu.memory_space<vmem>>
    %dma_start3A_31 = tpu.memref_squeeze %dma_start3A_30 : memref<1x128x80xf32, #tpu.memory_space<vmem>> -> memref<128x80xf32, #tpu.memory_space<vmem>>
    %dma_start3A_32 = arith.constant 0 : i32
    %dma_start3A_33 = tpu.memref_slice %arg7[%dma_start3A_26, %dma_start3A_32] : memref<79x128xi32, #tpu.memory_space<vmem>> -> memref<1x128xi32, #tpu.memory_space<vmem>>
    %dma_start3A_34 = tpu.memref_squeeze %dma_start3A_33 : memref<1x128xi32, #tpu.memory_space<vmem>> -> memref<128xi32, #tpu.memory_space<vmem>>
    %dma_start3A_35 = arith.constant 0 : i32
    %dma_start3A_36 = arith.constant 0 : i32
    %dma_start3A_37 = tpu.memref_slice %arg2[%dma_start3A_35, %dma_start3A_36] : memref<10000x80xf32, #tpu.memory_space<hbm>> -> memref<10000x80xf32, #tpu.memory_space<hbm>>
    tpu.enqueue_indirect_dma source(%dma_start3A_37 : memref<10000x80xf32, #tpu.memory_space<hbm>>) target(%dma_start3A_31 : memref<128x80xf32, #tpu.memory_space<vmem>>) offsets(%dma_start3A_34 : memref<128xi32, #tpu.memory_space<vmem>>) semaphore(%arg11 : memref<!tpu.dma_semaphore, #tpu.memory_space<semaphore_mem>>)
    %scan3A = arith.constant 0 : i32
    %scan3A_38 = arith.constant 0 : i32
    %scan3A_39 = arith.constant 79 : i32
    %scan3A_40 = arith.addi %scan3A_38, %scan3A_39 : i32
    %scan3A_41 = arith.constant 1 : i32
    scf.for %scan3A_44 = %scan3A_38 to %scan3A_40 step %scan3A_41  : i32 {
      %rem3A = arith.constant 4 : i32
      %rem3A_45 = arith.remsi %scan3A_44, %rem3A : i32
      %dma_wait3A = arith.constant 0 : i32
      %dma_wait3A_46 = arith.constant 0 : i32
      %dma_wait3A_47 = tpu.memref_slice %arg9[%rem3A_45, %dma_wait3A, %dma_wait3A_46] : memref<4x128x80xf32, #tpu.memory_space<vmem>> -> memref<1x128x80xf32, #tpu.memory_space<vmem>>
      %dma_wait3A_48 = tpu.memref_squeeze %dma_wait3A_47 : memref<1x128x80xf32, #tpu.memory_space<vmem>> -> memref<128x80xf32, #tpu.memory_space<vmem>>
      %dma_wait3A_49 = arith.constant 0 : i32
      %dma_wait3A_50 = tpu.memref_slice %arg7[%scan3A_44, %dma_wait3A_49] : memref<79x128xi32, #tpu.memory_space<vmem>> -> memref<1x128xi32, #tpu.memory_space<vmem>>
      %dma_wait3A_51 = tpu.memref_squeeze %dma_wait3A_50 : memref<1x128xi32, #tpu.memory_space<vmem>> -> memref<128xi32, #tpu.memory_space<vmem>>
      %dma_wait3A_52 = arith.constant 0 : i32
      %dma_wait3A_53 = arith.constant 0 : i32
      %dma_wait3A_54 = tpu.memref_slice %arg2[%dma_wait3A_52, %dma_wait3A_53] : memref<10000x80xf32, #tpu.memory_space<hbm>> -> memref<10000x80xf32, #tpu.memory_space<hbm>>
      tpu.wait_indirect_dma semaphore(%arg11 : memref<!tpu.dma_semaphore, #tpu.memory_space<semaphore_mem>>) src(%dma_wait3A_54 : memref<10000x80xf32, #tpu.memory_space<hbm>>) dst(%dma_wait3A_48 : memref<128x80xf32, #tpu.memory_space<vmem>>)
      %add3A_55 = arith.constant 4 : i32
      %add3A_56 = arith.addi %scan3A_44, %add3A_55 : i32
      %sub3A = arith.constant 1 : i32
      %sub3A_57 = arith.subi %add3A_56, %sub3A : i32
      %lt3A = arith.constant 79 : i32
      %lt3A_58 = arith.cmpi slt, %sub3A_57, %lt3A : i32
      %convert_element_type3A = arith.extui %lt3A_58 : i1 to i32
      %cond3A = arith.constant 0 : i32
      %cond3A_59 = arith.cmpi ne, %convert_element_type3A, %cond3A : i32
      scf.if %cond3A_59 {
        %add3A_60 = arith.constant 4 : i32
        %add3A_61 = arith.addi %scan3A_44, %add3A_60 : i32
        %sub3A_62 = arith.constant 1 : i32
        %sub3A_63 = arith.subi %add3A_61, %sub3A_62 : i32
        %add3A_64 = arith.constant 4 : i32
        %add3A_65 = arith.addi %scan3A_44, %add3A_64 : i32
        %sub3A_66 = arith.constant 1 : i32
        %sub3A_67 = arith.subi %add3A_65, %sub3A_66 : i32
        %rem3A_68 = arith.constant 4 : i32
        %rem3A_69 = arith.remsi %sub3A_67, %rem3A_68 : i32
        %dma_start3A_70 = arith.constant 0 : i32
        %dma_start3A_71 = arith.constant 0 : i32
        %dma_start3A_72 = tpu.memref_slice %arg9[%rem3A_69, %dma_start3A_70, %dma_start3A_71] : memref<4x128x80xf32, #tpu.memory_space<vmem>> -> memref<1x128x80xf32, #tpu.memory_space<vmem>>
        %dma_start3A_73 = tpu.memref_squeeze %dma_start3A_72 : memref<1x128x80xf32, #tpu.memory_space<vmem>> -> memref<128x80xf32, #tpu.memory_space<vmem>>
        %dma_start3A_74 = arith.constant 0 : i32
        %dma_start3A_75 = tpu.memref_slice %arg7[%sub3A_63, %dma_start3A_74] : memref<79x128xi32, #tpu.memory_space<vmem>> -> memref<1x128xi32, #tpu.memory_space<vmem>>
        %dma_start3A_76 = tpu.memref_squeeze %dma_start3A_75 : memref<1x128xi32, #tpu.memory_space<vmem>> -> memref<128xi32, #tpu.memory_space<vmem>>
        %dma_start3A_77 = arith.constant 0 : i32
        %dma_start3A_78 = arith.constant 0 : i32
        %dma_start3A_79 = tpu.memref_slice %arg2[%dma_start3A_77, %dma_start3A_78] : memref<10000x80xf32, #tpu.memory_space<hbm>> -> memref<10000x80xf32, #tpu.memory_space<hbm>>
        tpu.enqueue_indirect_dma source(%dma_start3A_79 : memref<10000x80xf32, #tpu.memory_space<hbm>>) target(%dma_start3A_73 : memref<128x80xf32, #tpu.memory_space<vmem>>) offsets(%dma_start3A_76 : memref<128xi32, #tpu.memory_space<vmem>>) semaphore(%arg11 : memref<!tpu.dma_semaphore, #tpu.memory_space<semaphore_mem>>)
      } else {
      }
      "tpu.region"() ({
        %run_scoped3A = tpu.sem_alloc : memref<!tpu.dma_semaphore, #tpu.memory_space<semaphore_mem>>
        %dma_start3A_60 = arith.constant 0 : i32
        %dma_start3A_61 = arith.constant 0 : i32
        %dma_start3A_62 = tpu.memref_slice %arg9[%rem3A_45, %dma_start3A_60, %dma_start3A_61] : memref<4x128x80xf32, #tpu.memory_space<vmem>> -> memref<1x128x80xf32, #tpu.memory_space<vmem>>
        %dma_start3A_63 = tpu.memref_squeeze %dma_start3A_62 : memref<1x128x80xf32, #tpu.memory_space<vmem>> -> memref<128x80xf32, #tpu.memory_space<vmem>>
        %dma_start3A_64 = arith.constant 0 : i32
        %dma_start3A_65 = tpu.memref_slice %arg8[%scan3A_44, %dma_start3A_64] : memref<79x128xi32, #tpu.memory_space<vmem>> -> memref<1x128xi32, #tpu.memory_space<vmem>>
        %dma_start3A_66 = tpu.memref_squeeze %dma_start3A_65 : memref<1x128xi32, #tpu.memory_space<vmem>> -> memref<128xi32, #tpu.memory_space<vmem>>
        %dma_start3A_67 = arith.constant 0 : i32
        %dma_start3A_68 = arith.constant 0 : i32
        %dma_start3A_69 = tpu.memref_slice %arg10[%dma_start3A_67, %dma_start3A_68] : memref<10112x80xf32, #tpu.memory_space<vmem_shared>> -> memref<10112x80xf32, #tpu.memory_space<vmem_shared>>
        tpu.enqueue_indirect_dma source(%dma_start3A_63 : memref<128x80xf32, #tpu.memory_space<vmem>>) target(%dma_start3A_69 : memref<10112x80xf32, #tpu.memory_space<vmem_shared>>) offsets(%dma_start3A_66 : memref<128xi32, #tpu.memory_space<vmem>>) semaphore(%run_scoped3A : memref<!tpu.dma_semaphore, #tpu.memory_space<semaphore_mem>>) {add = true}
        %dma_wait3A_70 = arith.constant 0 : i32
        %dma_wait3A_71 = arith.constant 0 : i32
        %dma_wait3A_72 = tpu.memref_slice %arg9[%rem3A_45, %dma_wait3A_70, %dma_wait3A_71] : memref<4x128x80xf32, #tpu.memory_space<vmem>> -> memref<1x128x80xf32, #tpu.memory_space<vmem>>
        %dma_wait3A_73 = tpu.memref_squeeze %dma_wait3A_72 : memref<1x128x80xf32, #tpu.memory_space<vmem>> -> memref<128x80xf32, #tpu.memory_space<vmem>>
        %dma_wait3A_74 = arith.constant 0 : i32
        %dma_wait3A_75 = tpu.memref_slice %arg8[%scan3A_44, %dma_wait3A_74] : memref<79x128xi32, #tpu.memory_space<vmem>> -> memref<1x128xi32, #tpu.memory_space<vmem>>
        %dma_wait3A_76 = tpu.memref_squeeze %dma_wait3A_75 : memref<1x128xi32, #tpu.memory_space<vmem>> -> memref<128xi32, #tpu.memory_space<vmem>>
        %dma_wait3A_77 = arith.constant 0 : i32
        %dma_wait3A_78 = arith.constant 0 : i32
        %dma_wait3A_79 = tpu.memref_slice %arg10[%dma_wait3A_77, %dma_wait3A_78] : memref<10112x80xf32, #tpu.memory_space<vmem_shared>> -> memref<10112x80xf32, #tpu.memory_space<vmem_shared>>
        tpu.wait_indirect_dma semaphore(%run_scoped3A : memref<!tpu.dma_semaphore, #tpu.memory_space<semaphore_mem>>) src(%dma_wait3A_73 : memref<128x80xf32, #tpu.memory_space<vmem>>) dst(%dma_wait3A_79 : memref<10112x80xf32, #tpu.memory_space<vmem_shared>>)
        tpu.yield
      }) : () -> ()
    }
    %scan3A_42 = arith.constant 79 : i32
    %barrier3A_43 = arith.constant 0 : index
    tpu.barrier barrier_id(%barrier3A_43)
    "tpu.region"() ({
      %run_scoped3A = tpu.sem_alloc : memref<!tpu.dma_semaphore, #tpu.memory_space<semaphore_mem>>
      %dma_start3A_44 = arith.constant 0 : i32
      %dma_start3A_45 = tpu.memref_slice %arg6[%arg0, %mul3A_2, %dma_start3A_44] : memref<2x10112x80xf32, #tpu.memory_space<hbm>> -> memref<1x632x80xf32, #tpu.memory_space<hbm>>
      %dma_start3A_46 = tpu.memref_squeeze %dma_start3A_45 : memref<1x632x80xf32, #tpu.memory_space<hbm>> -> memref<632x80xf32, #tpu.memory_space<hbm>>
      %dma_start3A_47 = arith.constant 0 : i32
      %dma_start3A_48 = tpu.memref_slice %arg10[%mul3A_2, %dma_start3A_47] : memref<10112x80xf32, #tpu.memory_space<vmem_shared>> -> memref<632x80xf32, #tpu.memory_space<vmem_shared>>
      tpu.enqueue_dma source(%dma_start3A_48 : memref<632x80xf32, #tpu.memory_space<vmem_shared>>) target(%dma_start3A_46 : memref<632x80xf32, #tpu.memory_space<hbm>>) target_semaphore(%run_scoped3A : memref<!tpu.dma_semaphore, #tpu.memory_space<semaphore_mem>>)
      %dma_wait3A = arith.constant 0 : i32
      %dma_wait3A_49 = tpu.memref_slice %arg6[%arg0, %mul3A_2, %dma_wait3A] : memref<2x10112x80xf32, #tpu.memory_space<hbm>> -> memref<1x632x80xf32, #tpu.memory_space<hbm>>
      %dma_wait3A_50 = tpu.memref_squeeze %dma_wait3A_49 : memref<1x632x80xf32, #tpu.memory_space<hbm>> -> memref<632x80xf32, #tpu.memory_space<hbm>>
      %dma_wait3A_51 = arith.constant 0 : i32
      %dma_wait3A_52 = tpu.memref_slice %arg10[%mul3A_2, %dma_wait3A_51] : memref<10112x80xf32, #tpu.memory_space<vmem_shared>> -> memref<632x80xf32, #tpu.memory_space<vmem_shared>>
      tpu.wait_dma2 semaphore(%run_scoped3A : memref<!tpu.dma_semaphore, #tpu.memory_space<semaphore_mem>>) src(%dma_wait3A_52 : memref<632x80xf32, #tpu.memory_space<vmem_shared>>) dst(%dma_wait3A_50 : memref<632x80xf32, #tpu.memory_space<hbm>>)
      tpu.yield
    }) : () -> ()
    return
  }
}

#map = affine_map<(d0, d1) -> (0, 0)>
#map1 = affine_map<(d0, d1) -> (0, 0, 0)>
module attributes {stable_mosaic.version = 14 : i64} {
  func.func @sc_agg(%arg0: i32, %arg1: i32, %arg2: memref<10000x64xf32, #tpu.memory_space<hbm>>, %arg3: memref<32x79x128xi32, #tpu.memory_space<hbm>>, %arg4: memref<32x79x128xi32, #tpu.memory_space<hbm>>, %arg5: memref<10112x64xf32, #tpu.memory_space<hbm>>, %arg6: memref<2x10112x64xf32, #tpu.memory_space<hbm>>, %arg7: memref<79x128xi32, #tpu.memory_space<vmem>>, %arg8: memref<79x128xi32, #tpu.memory_space<vmem>>, %arg9: memref<6x128x64xf32, #tpu.memory_space<vmem>>, %arg10: memref<10112x64xf32, #tpu.memory_space<vmem_shared>>, %arg11: memref<!tpu.dma_semaphore, #tpu.memory_space<semaphore_mem>>, %arg12: memref<!tpu.dma_semaphore, #tpu.memory_space<semaphore_mem>>) attributes {dimension_semantics = [#tpu.dimension_semantics<core_parallel>, #tpu.dimension_semantics<subcore_parallel>], iteration_bounds = array<i64: 2, 16>, scalar_prefetch = 0 : i64, scratch_operands = 6 : i64, tpu.core_type = #tpu.core_type<sc_vector_subcore>, window_params = [{transform_indices = #map}, {transform_indices = #map1}, {transform_indices = #map1}, {transform_indices = #map}, {transform_indices = #map1}]} {
    %mul3A = arith.constant 2 : i32
    %mul3A_0 = arith.muli %arg1, %mul3A : i32
    %add3A = arith.addi %mul3A_0, %arg0 : i32
    %mul3A_1 = arith.constant 632 : i32
    %mul3A_2 = arith.muli %arg1, %mul3A_1 : i32
    "tpu.region"() ({
      %run_scoped3A = tpu.sem_alloc : memref<!tpu.dma_semaphore, #tpu.memory_space<semaphore_mem>>
      %dma_start3A_68 = arith.constant 0 : i32
      %dma_start3A_69 = tpu.memref_slice %arg10[%mul3A_2, %dma_start3A_68] : memref<10112x64xf32, #tpu.memory_space<vmem_shared>> -> memref<632x64xf32, #tpu.memory_space<vmem_shared>>
      %dma_start3A_70 = arith.constant 0 : i32
      %dma_start3A_71 = tpu.memref_slice %arg5[%mul3A_2, %dma_start3A_70] : memref<10112x64xf32, #tpu.memory_space<hbm>> -> memref<632x64xf32, #tpu.memory_space<hbm>>
      tpu.enqueue_dma source(%dma_start3A_71 : memref<632x64xf32, #tpu.memory_space<hbm>>) target(%dma_start3A_69 : memref<632x64xf32, #tpu.memory_space<vmem_shared>>) target_semaphore(%run_scoped3A : memref<!tpu.dma_semaphore, #tpu.memory_space<semaphore_mem>>)
      %dma_wait3A = arith.constant 0 : i32
      %dma_wait3A_72 = tpu.memref_slice %arg10[%mul3A_2, %dma_wait3A] : memref<10112x64xf32, #tpu.memory_space<vmem_shared>> -> memref<632x64xf32, #tpu.memory_space<vmem_shared>>
      %dma_wait3A_73 = arith.constant 0 : i32
      %dma_wait3A_74 = tpu.memref_slice %arg5[%mul3A_2, %dma_wait3A_73] : memref<10112x64xf32, #tpu.memory_space<hbm>> -> memref<632x64xf32, #tpu.memory_space<hbm>>
      tpu.wait_dma2 semaphore(%run_scoped3A : memref<!tpu.dma_semaphore, #tpu.memory_space<semaphore_mem>>) src(%dma_wait3A_74 : memref<632x64xf32, #tpu.memory_space<hbm>>) dst(%dma_wait3A_72 : memref<632x64xf32, #tpu.memory_space<vmem_shared>>)
      tpu.yield
    }) : () -> ()
    "tpu.region"() ({
      %run_scoped3A = tpu.sem_alloc : memref<!tpu.dma_semaphore, #tpu.memory_space<semaphore_mem>>
      %dma_start3A_68 = arith.constant 0 : i32
      %dma_start3A_69 = arith.constant 0 : i32
      %dma_start3A_70 = tpu.memref_slice %arg3[%add3A, %dma_start3A_68, %dma_start3A_69] : memref<32x79x128xi32, #tpu.memory_space<hbm>> -> memref<1x79x128xi32, #tpu.memory_space<hbm>>
      %dma_start3A_71 = tpu.memref_squeeze %dma_start3A_70 : memref<1x79x128xi32, #tpu.memory_space<hbm>> -> memref<79x128xi32, #tpu.memory_space<hbm>>
      %dma_start3A_72 = arith.constant 0 : i32
      %dma_start3A_73 = arith.constant 0 : i32
      %dma_start3A_74 = tpu.memref_slice %arg3[%add3A, %dma_start3A_72, %dma_start3A_73] : memref<32x79x128xi32, #tpu.memory_space<hbm>> -> memref<1x79x128xi32, #tpu.memory_space<hbm>>
      %dma_start3A_75 = tpu.memref_squeeze %dma_start3A_74 : memref<1x79x128xi32, #tpu.memory_space<hbm>> -> memref<79x128xi32, #tpu.memory_space<hbm>>
      tpu.enqueue_dma source(%dma_start3A_75 : memref<79x128xi32, #tpu.memory_space<hbm>>) target(%arg7 : memref<79x128xi32, #tpu.memory_space<vmem>>) target_semaphore(%run_scoped3A : memref<!tpu.dma_semaphore, #tpu.memory_space<semaphore_mem>>)
      %dma_wait3A = arith.constant 0 : i32
      %dma_wait3A_76 = arith.constant 0 : i32
      %dma_wait3A_77 = tpu.memref_slice %arg3[%add3A, %dma_wait3A, %dma_wait3A_76] : memref<32x79x128xi32, #tpu.memory_space<hbm>> -> memref<1x79x128xi32, #tpu.memory_space<hbm>>
      %dma_wait3A_78 = tpu.memref_squeeze %dma_wait3A_77 : memref<1x79x128xi32, #tpu.memory_space<hbm>> -> memref<79x128xi32, #tpu.memory_space<hbm>>
      %dma_wait3A_79 = arith.constant 0 : i32
      %dma_wait3A_80 = arith.constant 0 : i32
      %dma_wait3A_81 = tpu.memref_slice %arg3[%add3A, %dma_wait3A_79, %dma_wait3A_80] : memref<32x79x128xi32, #tpu.memory_space<hbm>> -> memref<1x79x128xi32, #tpu.memory_space<hbm>>
      %dma_wait3A_82 = tpu.memref_squeeze %dma_wait3A_81 : memref<1x79x128xi32, #tpu.memory_space<hbm>> -> memref<79x128xi32, #tpu.memory_space<hbm>>
      tpu.wait_dma2 semaphore(%run_scoped3A : memref<!tpu.dma_semaphore, #tpu.memory_space<semaphore_mem>>) src(%dma_wait3A_82 : memref<79x128xi32, #tpu.memory_space<hbm>>) dst(%arg7 : memref<79x128xi32, #tpu.memory_space<vmem>>)
      tpu.yield
    }) : () -> ()
    "tpu.region"() ({
      %run_scoped3A = tpu.sem_alloc : memref<!tpu.dma_semaphore, #tpu.memory_space<semaphore_mem>>
      %dma_start3A_68 = arith.constant 0 : i32
      %dma_start3A_69 = arith.constant 0 : i32
      %dma_start3A_70 = tpu.memref_slice %arg4[%add3A, %dma_start3A_68, %dma_start3A_69] : memref<32x79x128xi32, #tpu.memory_space<hbm>> -> memref<1x79x128xi32, #tpu.memory_space<hbm>>
      %dma_start3A_71 = tpu.memref_squeeze %dma_start3A_70 : memref<1x79x128xi32, #tpu.memory_space<hbm>> -> memref<79x128xi32, #tpu.memory_space<hbm>>
      %dma_start3A_72 = arith.constant 0 : i32
      %dma_start3A_73 = arith.constant 0 : i32
      %dma_start3A_74 = tpu.memref_slice %arg4[%add3A, %dma_start3A_72, %dma_start3A_73] : memref<32x79x128xi32, #tpu.memory_space<hbm>> -> memref<1x79x128xi32, #tpu.memory_space<hbm>>
      %dma_start3A_75 = tpu.memref_squeeze %dma_start3A_74 : memref<1x79x128xi32, #tpu.memory_space<hbm>> -> memref<79x128xi32, #tpu.memory_space<hbm>>
      tpu.enqueue_dma source(%dma_start3A_75 : memref<79x128xi32, #tpu.memory_space<hbm>>) target(%arg8 : memref<79x128xi32, #tpu.memory_space<vmem>>) target_semaphore(%run_scoped3A : memref<!tpu.dma_semaphore, #tpu.memory_space<semaphore_mem>>)
      %dma_wait3A = arith.constant 0 : i32
      %dma_wait3A_76 = arith.constant 0 : i32
      %dma_wait3A_77 = tpu.memref_slice %arg4[%add3A, %dma_wait3A, %dma_wait3A_76] : memref<32x79x128xi32, #tpu.memory_space<hbm>> -> memref<1x79x128xi32, #tpu.memory_space<hbm>>
      %dma_wait3A_78 = tpu.memref_squeeze %dma_wait3A_77 : memref<1x79x128xi32, #tpu.memory_space<hbm>> -> memref<79x128xi32, #tpu.memory_space<hbm>>
      %dma_wait3A_79 = arith.constant 0 : i32
      %dma_wait3A_80 = arith.constant 0 : i32
      %dma_wait3A_81 = tpu.memref_slice %arg4[%add3A, %dma_wait3A_79, %dma_wait3A_80] : memref<32x79x128xi32, #tpu.memory_space<hbm>> -> memref<1x79x128xi32, #tpu.memory_space<hbm>>
      %dma_wait3A_82 = tpu.memref_squeeze %dma_wait3A_81 : memref<1x79x128xi32, #tpu.memory_space<hbm>> -> memref<79x128xi32, #tpu.memory_space<hbm>>
      tpu.wait_dma2 semaphore(%run_scoped3A : memref<!tpu.dma_semaphore, #tpu.memory_space<semaphore_mem>>) src(%dma_wait3A_82 : memref<79x128xi32, #tpu.memory_space<hbm>>) dst(%arg8 : memref<79x128xi32, #tpu.memory_space<vmem>>)
      tpu.yield
    }) : () -> ()
    %barrier3A = arith.constant 0 : index
    tpu.barrier barrier_id(%barrier3A)
    %dma_start3A = arith.constant 0 : i32
    %dma_start3A_3 = arith.constant 0 : i32
    %dma_start3A_4 = arith.constant 0 : i32
    %dma_start3A_5 = arith.constant 0 : i32
    %dma_start3A_6 = tpu.memref_slice %arg9[%dma_start3A_3, %dma_start3A_4, %dma_start3A_5] : memref<6x128x64xf32, #tpu.memory_space<vmem>> -> memref<1x128x64xf32, #tpu.memory_space<vmem>>
    %dma_start3A_7 = tpu.memref_squeeze %dma_start3A_6 : memref<1x128x64xf32, #tpu.memory_space<vmem>> -> memref<128x64xf32, #tpu.memory_space<vmem>>
    %dma_start3A_8 = arith.constant 0 : i32
    %dma_start3A_9 = tpu.memref_slice %arg7[%dma_start3A, %dma_start3A_8] : memref<79x128xi32, #tpu.memory_space<vmem>> -> memref<1x128xi32, #tpu.memory_space<vmem>>
    %dma_start3A_10 = tpu.memref_squeeze %dma_start3A_9 : memref<1x128xi32, #tpu.memory_space<vmem>> -> memref<128xi32, #tpu.memory_space<vmem>>
    %dma_start3A_11 = arith.constant 0 : i32
    %dma_start3A_12 = arith.constant 0 : i32
    %dma_start3A_13 = tpu.memref_slice %arg2[%dma_start3A_11, %dma_start3A_12] : memref<10000x64xf32, #tpu.memory_space<hbm>> -> memref<10000x64xf32, #tpu.memory_space<hbm>>
    tpu.enqueue_indirect_dma source(%dma_start3A_13 : memref<10000x64xf32, #tpu.memory_space<hbm>>) target(%dma_start3A_7 : memref<128x64xf32, #tpu.memory_space<vmem>>) offsets(%dma_start3A_10 : memref<128xi32, #tpu.memory_space<vmem>>) semaphore(%arg11 : memref<!tpu.dma_semaphore, #tpu.memory_space<semaphore_mem>>)
    %dma_start3A_14 = arith.constant 1 : i32
    %dma_start3A_15 = arith.constant 1 : i32
    %dma_start3A_16 = arith.constant 0 : i32
    %dma_start3A_17 = arith.constant 0 : i32
    %dma_start3A_18 = tpu.memref_slice %arg9[%dma_start3A_15, %dma_start3A_16, %dma_start3A_17] : memref<6x128x64xf32, #tpu.memory_space<vmem>> -> memref<1x128x64xf32, #tpu.memory_space<vmem>>
    %dma_start3A_19 = tpu.memref_squeeze %dma_start3A_18 : memref<1x128x64xf32, #tpu.memory_space<vmem>> -> memref<128x64xf32, #tpu.memory_space<vmem>>
    %dma_start3A_20 = arith.constant 0 : i32
    %dma_start3A_21 = tpu.memref_slice %arg7[%dma_start3A_14, %dma_start3A_20] : memref<79x128xi32, #tpu.memory_space<vmem>> -> memref<1x128xi32, #tpu.memory_space<vmem>>
    %dma_start3A_22 = tpu.memref_squeeze %dma_start3A_21 : memref<1x128xi32, #tpu.memory_space<vmem>> -> memref<128xi32, #tpu.memory_space<vmem>>
    %dma_start3A_23 = arith.constant 0 : i32
    %dma_start3A_24 = arith.constant 0 : i32
    %dma_start3A_25 = tpu.memref_slice %arg2[%dma_start3A_23, %dma_start3A_24] : memref<10000x64xf32, #tpu.memory_space<hbm>> -> memref<10000x64xf32, #tpu.memory_space<hbm>>
    tpu.enqueue_indirect_dma source(%dma_start3A_25 : memref<10000x64xf32, #tpu.memory_space<hbm>>) target(%dma_start3A_19 : memref<128x64xf32, #tpu.memory_space<vmem>>) offsets(%dma_start3A_22 : memref<128xi32, #tpu.memory_space<vmem>>) semaphore(%arg11 : memref<!tpu.dma_semaphore, #tpu.memory_space<semaphore_mem>>)
    %dma_start3A_26 = arith.constant 2 : i32
    %dma_start3A_27 = arith.constant 2 : i32
    %dma_start3A_28 = arith.constant 0 : i32
    %dma_start3A_29 = arith.constant 0 : i32
    %dma_start3A_30 = tpu.memref_slice %arg9[%dma_start3A_27, %dma_start3A_28, %dma_start3A_29] : memref<6x128x64xf32, #tpu.memory_space<vmem>> -> memref<1x128x64xf32, #tpu.memory_space<vmem>>
    %dma_start3A_31 = tpu.memref_squeeze %dma_start3A_30 : memref<1x128x64xf32, #tpu.memory_space<vmem>> -> memref<128x64xf32, #tpu.memory_space<vmem>>
    %dma_start3A_32 = arith.constant 0 : i32
    %dma_start3A_33 = tpu.memref_slice %arg7[%dma_start3A_26, %dma_start3A_32] : memref<79x128xi32, #tpu.memory_space<vmem>> -> memref<1x128xi32, #tpu.memory_space<vmem>>
    %dma_start3A_34 = tpu.memref_squeeze %dma_start3A_33 : memref<1x128xi32, #tpu.memory_space<vmem>> -> memref<128xi32, #tpu.memory_space<vmem>>
    %dma_start3A_35 = arith.constant 0 : i32
    %dma_start3A_36 = arith.constant 0 : i32
    %dma_start3A_37 = tpu.memref_slice %arg2[%dma_start3A_35, %dma_start3A_36] : memref<10000x64xf32, #tpu.memory_space<hbm>> -> memref<10000x64xf32, #tpu.memory_space<hbm>>
    tpu.enqueue_indirect_dma source(%dma_start3A_37 : memref<10000x64xf32, #tpu.memory_space<hbm>>) target(%dma_start3A_31 : memref<128x64xf32, #tpu.memory_space<vmem>>) offsets(%dma_start3A_34 : memref<128xi32, #tpu.memory_space<vmem>>) semaphore(%arg11 : memref<!tpu.dma_semaphore, #tpu.memory_space<semaphore_mem>>)
    %dma_start3A_38 = arith.constant 3 : i32
    %dma_start3A_39 = arith.constant 3 : i32
    %dma_start3A_40 = arith.constant 0 : i32
    %dma_start3A_41 = arith.constant 0 : i32
    %dma_start3A_42 = tpu.memref_slice %arg9[%dma_start3A_39, %dma_start3A_40, %dma_start3A_41] : memref<6x128x64xf32, #tpu.memory_space<vmem>> -> memref<1x128x64xf32, #tpu.memory_space<vmem>>
    %dma_start3A_43 = tpu.memref_squeeze %dma_start3A_42 : memref<1x128x64xf32, #tpu.memory_space<vmem>> -> memref<128x64xf32, #tpu.memory_space<vmem>>
    %dma_start3A_44 = arith.constant 0 : i32
    %dma_start3A_45 = tpu.memref_slice %arg7[%dma_start3A_38, %dma_start3A_44] : memref<79x128xi32, #tpu.memory_space<vmem>> -> memref<1x128xi32, #tpu.memory_space<vmem>>
    %dma_start3A_46 = tpu.memref_squeeze %dma_start3A_45 : memref<1x128xi32, #tpu.memory_space<vmem>> -> memref<128xi32, #tpu.memory_space<vmem>>
    %dma_start3A_47 = arith.constant 0 : i32
    %dma_start3A_48 = arith.constant 0 : i32
    %dma_start3A_49 = tpu.memref_slice %arg2[%dma_start3A_47, %dma_start3A_48] : memref<10000x64xf32, #tpu.memory_space<hbm>> -> memref<10000x64xf32, #tpu.memory_space<hbm>>
    tpu.enqueue_indirect_dma source(%dma_start3A_49 : memref<10000x64xf32, #tpu.memory_space<hbm>>) target(%dma_start3A_43 : memref<128x64xf32, #tpu.memory_space<vmem>>) offsets(%dma_start3A_46 : memref<128xi32, #tpu.memory_space<vmem>>) semaphore(%arg11 : memref<!tpu.dma_semaphore, #tpu.memory_space<semaphore_mem>>)
    %dma_start3A_50 = arith.constant 4 : i32
    %dma_start3A_51 = arith.constant 4 : i32
    %dma_start3A_52 = arith.constant 0 : i32
    %dma_start3A_53 = arith.constant 0 : i32
    %dma_start3A_54 = tpu.memref_slice %arg9[%dma_start3A_51, %dma_start3A_52, %dma_start3A_53] : memref<6x128x64xf32, #tpu.memory_space<vmem>> -> memref<1x128x64xf32, #tpu.memory_space<vmem>>
    %dma_start3A_55 = tpu.memref_squeeze %dma_start3A_54 : memref<1x128x64xf32, #tpu.memory_space<vmem>> -> memref<128x64xf32, #tpu.memory_space<vmem>>
    %dma_start3A_56 = arith.constant 0 : i32
    %dma_start3A_57 = tpu.memref_slice %arg7[%dma_start3A_50, %dma_start3A_56] : memref<79x128xi32, #tpu.memory_space<vmem>> -> memref<1x128xi32, #tpu.memory_space<vmem>>
    %dma_start3A_58 = tpu.memref_squeeze %dma_start3A_57 : memref<1x128xi32, #tpu.memory_space<vmem>> -> memref<128xi32, #tpu.memory_space<vmem>>
    %dma_start3A_59 = arith.constant 0 : i32
    %dma_start3A_60 = arith.constant 0 : i32
    %dma_start3A_61 = tpu.memref_slice %arg2[%dma_start3A_59, %dma_start3A_60] : memref<10000x64xf32, #tpu.memory_space<hbm>> -> memref<10000x64xf32, #tpu.memory_space<hbm>>
    tpu.enqueue_indirect_dma source(%dma_start3A_61 : memref<10000x64xf32, #tpu.memory_space<hbm>>) target(%dma_start3A_55 : memref<128x64xf32, #tpu.memory_space<vmem>>) offsets(%dma_start3A_58 : memref<128xi32, #tpu.memory_space<vmem>>) semaphore(%arg11 : memref<!tpu.dma_semaphore, #tpu.memory_space<semaphore_mem>>)
    %scan3A = arith.constant 0 : i32
    %scan3A_62 = arith.constant 0 : i32
    %scan3A_63 = arith.constant 79 : i32
    %scan3A_64 = arith.addi %scan3A_62, %scan3A_63 : i32
    %scan3A_65 = arith.constant 1 : i32
    scf.for %scan3A_68 = %scan3A_62 to %scan3A_64 step %scan3A_65  : i32 {
      %rem3A = arith.constant 6 : i32
      %rem3A_69 = arith.remsi %scan3A_68, %rem3A : i32
      %dma_wait3A = arith.constant 0 : i32
      %dma_wait3A_70 = arith.constant 0 : i32
      %dma_wait3A_71 = tpu.memref_slice %arg9[%rem3A_69, %dma_wait3A, %dma_wait3A_70] : memref<6x128x64xf32, #tpu.memory_space<vmem>> -> memref<1x128x64xf32, #tpu.memory_space<vmem>>
      %dma_wait3A_72 = tpu.memref_squeeze %dma_wait3A_71 : memref<1x128x64xf32, #tpu.memory_space<vmem>> -> memref<128x64xf32, #tpu.memory_space<vmem>>
      %dma_wait3A_73 = arith.constant 0 : i32
      %dma_wait3A_74 = tpu.memref_slice %arg7[%scan3A_68, %dma_wait3A_73] : memref<79x128xi32, #tpu.memory_space<vmem>> -> memref<1x128xi32, #tpu.memory_space<vmem>>
      %dma_wait3A_75 = tpu.memref_squeeze %dma_wait3A_74 : memref<1x128xi32, #tpu.memory_space<vmem>> -> memref<128xi32, #tpu.memory_space<vmem>>
      %dma_wait3A_76 = arith.constant 0 : i32
      %dma_wait3A_77 = arith.constant 0 : i32
      %dma_wait3A_78 = tpu.memref_slice %arg2[%dma_wait3A_76, %dma_wait3A_77] : memref<10000x64xf32, #tpu.memory_space<hbm>> -> memref<10000x64xf32, #tpu.memory_space<hbm>>
      tpu.wait_indirect_dma semaphore(%arg11 : memref<!tpu.dma_semaphore, #tpu.memory_space<semaphore_mem>>) src(%dma_wait3A_78 : memref<10000x64xf32, #tpu.memory_space<hbm>>) dst(%dma_wait3A_72 : memref<128x64xf32, #tpu.memory_space<vmem>>)
      %add3A_79 = arith.constant 6 : i32
      %add3A_80 = arith.addi %scan3A_68, %add3A_79 : i32
      %sub3A = arith.constant 1 : i32
      %sub3A_81 = arith.subi %add3A_80, %sub3A : i32
      %lt3A = arith.constant 79 : i32
      %lt3A_82 = arith.cmpi slt, %sub3A_81, %lt3A : i32
      %convert_element_type3A = arith.extui %lt3A_82 : i1 to i32
      %cond3A = arith.constant 0 : i32
      %cond3A_83 = arith.cmpi ne, %convert_element_type3A, %cond3A : i32
      scf.if %cond3A_83 {
        %add3A_84 = arith.constant 6 : i32
        %add3A_85 = arith.addi %scan3A_68, %add3A_84 : i32
        %sub3A_86 = arith.constant 1 : i32
        %sub3A_87 = arith.subi %add3A_85, %sub3A_86 : i32
        %add3A_88 = arith.constant 6 : i32
        %add3A_89 = arith.addi %scan3A_68, %add3A_88 : i32
        %sub3A_90 = arith.constant 1 : i32
        %sub3A_91 = arith.subi %add3A_89, %sub3A_90 : i32
        %rem3A_92 = arith.constant 6 : i32
        %rem3A_93 = arith.remsi %sub3A_91, %rem3A_92 : i32
        %dma_start3A_94 = arith.constant 0 : i32
        %dma_start3A_95 = arith.constant 0 : i32
        %dma_start3A_96 = tpu.memref_slice %arg9[%rem3A_93, %dma_start3A_94, %dma_start3A_95] : memref<6x128x64xf32, #tpu.memory_space<vmem>> -> memref<1x128x64xf32, #tpu.memory_space<vmem>>
        %dma_start3A_97 = tpu.memref_squeeze %dma_start3A_96 : memref<1x128x64xf32, #tpu.memory_space<vmem>> -> memref<128x64xf32, #tpu.memory_space<vmem>>
        %dma_start3A_98 = arith.constant 0 : i32
        %dma_start3A_99 = tpu.memref_slice %arg7[%sub3A_87, %dma_start3A_98] : memref<79x128xi32, #tpu.memory_space<vmem>> -> memref<1x128xi32, #tpu.memory_space<vmem>>
        %dma_start3A_100 = tpu.memref_squeeze %dma_start3A_99 : memref<1x128xi32, #tpu.memory_space<vmem>> -> memref<128xi32, #tpu.memory_space<vmem>>
        %dma_start3A_101 = arith.constant 0 : i32
        %dma_start3A_102 = arith.constant 0 : i32
        %dma_start3A_103 = tpu.memref_slice %arg2[%dma_start3A_101, %dma_start3A_102] : memref<10000x64xf32, #tpu.memory_space<hbm>> -> memref<10000x64xf32, #tpu.memory_space<hbm>>
        tpu.enqueue_indirect_dma source(%dma_start3A_103 : memref<10000x64xf32, #tpu.memory_space<hbm>>) target(%dma_start3A_97 : memref<128x64xf32, #tpu.memory_space<vmem>>) offsets(%dma_start3A_100 : memref<128xi32, #tpu.memory_space<vmem>>) semaphore(%arg11 : memref<!tpu.dma_semaphore, #tpu.memory_space<semaphore_mem>>)
      } else {
      }
      "tpu.region"() ({
        %run_scoped3A = tpu.sem_alloc : memref<!tpu.dma_semaphore, #tpu.memory_space<semaphore_mem>>
        %dma_start3A_84 = arith.constant 0 : i32
        %dma_start3A_85 = arith.constant 0 : i32
        %dma_start3A_86 = tpu.memref_slice %arg9[%rem3A_69, %dma_start3A_84, %dma_start3A_85] : memref<6x128x64xf32, #tpu.memory_space<vmem>> -> memref<1x128x64xf32, #tpu.memory_space<vmem>>
        %dma_start3A_87 = tpu.memref_squeeze %dma_start3A_86 : memref<1x128x64xf32, #tpu.memory_space<vmem>> -> memref<128x64xf32, #tpu.memory_space<vmem>>
        %dma_start3A_88 = arith.constant 0 : i32
        %dma_start3A_89 = tpu.memref_slice %arg8[%scan3A_68, %dma_start3A_88] : memref<79x128xi32, #tpu.memory_space<vmem>> -> memref<1x128xi32, #tpu.memory_space<vmem>>
        %dma_start3A_90 = tpu.memref_squeeze %dma_start3A_89 : memref<1x128xi32, #tpu.memory_space<vmem>> -> memref<128xi32, #tpu.memory_space<vmem>>
        %dma_start3A_91 = arith.constant 0 : i32
        %dma_start3A_92 = arith.constant 0 : i32
        %dma_start3A_93 = tpu.memref_slice %arg10[%dma_start3A_91, %dma_start3A_92] : memref<10112x64xf32, #tpu.memory_space<vmem_shared>> -> memref<10112x64xf32, #tpu.memory_space<vmem_shared>>
        tpu.enqueue_indirect_dma source(%dma_start3A_87 : memref<128x64xf32, #tpu.memory_space<vmem>>) target(%dma_start3A_93 : memref<10112x64xf32, #tpu.memory_space<vmem_shared>>) offsets(%dma_start3A_90 : memref<128xi32, #tpu.memory_space<vmem>>) semaphore(%run_scoped3A : memref<!tpu.dma_semaphore, #tpu.memory_space<semaphore_mem>>) {add = true}
        %dma_wait3A_94 = arith.constant 0 : i32
        %dma_wait3A_95 = arith.constant 0 : i32
        %dma_wait3A_96 = tpu.memref_slice %arg9[%rem3A_69, %dma_wait3A_94, %dma_wait3A_95] : memref<6x128x64xf32, #tpu.memory_space<vmem>> -> memref<1x128x64xf32, #tpu.memory_space<vmem>>
        %dma_wait3A_97 = tpu.memref_squeeze %dma_wait3A_96 : memref<1x128x64xf32, #tpu.memory_space<vmem>> -> memref<128x64xf32, #tpu.memory_space<vmem>>
        %dma_wait3A_98 = arith.constant 0 : i32
        %dma_wait3A_99 = tpu.memref_slice %arg8[%scan3A_68, %dma_wait3A_98] : memref<79x128xi32, #tpu.memory_space<vmem>> -> memref<1x128xi32, #tpu.memory_space<vmem>>
        %dma_wait3A_100 = tpu.memref_squeeze %dma_wait3A_99 : memref<1x128xi32, #tpu.memory_space<vmem>> -> memref<128xi32, #tpu.memory_space<vmem>>
        %dma_wait3A_101 = arith.constant 0 : i32
        %dma_wait3A_102 = arith.constant 0 : i32
        %dma_wait3A_103 = tpu.memref_slice %arg10[%dma_wait3A_101, %dma_wait3A_102] : memref<10112x64xf32, #tpu.memory_space<vmem_shared>> -> memref<10112x64xf32, #tpu.memory_space<vmem_shared>>
        tpu.wait_indirect_dma semaphore(%run_scoped3A : memref<!tpu.dma_semaphore, #tpu.memory_space<semaphore_mem>>) src(%dma_wait3A_97 : memref<128x64xf32, #tpu.memory_space<vmem>>) dst(%dma_wait3A_103 : memref<10112x64xf32, #tpu.memory_space<vmem_shared>>)
        tpu.yield
      }) : () -> ()
    }
    %scan3A_66 = arith.constant 79 : i32
    %barrier3A_67 = arith.constant 0 : index
    tpu.barrier barrier_id(%barrier3A_67)
    "tpu.region"() ({
      %run_scoped3A = tpu.sem_alloc : memref<!tpu.dma_semaphore, #tpu.memory_space<semaphore_mem>>
      %dma_start3A_68 = arith.constant 0 : i32
      %dma_start3A_69 = tpu.memref_slice %arg6[%arg0, %mul3A_2, %dma_start3A_68] : memref<2x10112x64xf32, #tpu.memory_space<hbm>> -> memref<1x632x64xf32, #tpu.memory_space<hbm>>
      %dma_start3A_70 = tpu.memref_squeeze %dma_start3A_69 : memref<1x632x64xf32, #tpu.memory_space<hbm>> -> memref<632x64xf32, #tpu.memory_space<hbm>>
      %dma_start3A_71 = arith.constant 0 : i32
      %dma_start3A_72 = tpu.memref_slice %arg10[%mul3A_2, %dma_start3A_71] : memref<10112x64xf32, #tpu.memory_space<vmem_shared>> -> memref<632x64xf32, #tpu.memory_space<vmem_shared>>
      tpu.enqueue_dma source(%dma_start3A_72 : memref<632x64xf32, #tpu.memory_space<vmem_shared>>) target(%dma_start3A_70 : memref<632x64xf32, #tpu.memory_space<hbm>>) target_semaphore(%run_scoped3A : memref<!tpu.dma_semaphore, #tpu.memory_space<semaphore_mem>>)
      %dma_wait3A = arith.constant 0 : i32
      %dma_wait3A_73 = tpu.memref_slice %arg6[%arg0, %mul3A_2, %dma_wait3A] : memref<2x10112x64xf32, #tpu.memory_space<hbm>> -> memref<1x632x64xf32, #tpu.memory_space<hbm>>
      %dma_wait3A_74 = tpu.memref_squeeze %dma_wait3A_73 : memref<1x632x64xf32, #tpu.memory_space<hbm>> -> memref<632x64xf32, #tpu.memory_space<hbm>>
      %dma_wait3A_75 = arith.constant 0 : i32
      %dma_wait3A_76 = tpu.memref_slice %arg10[%mul3A_2, %dma_wait3A_75] : memref<10112x64xf32, #tpu.memory_space<vmem_shared>> -> memref<632x64xf32, #tpu.memory_space<vmem_shared>>
      tpu.wait_dma2 semaphore(%run_scoped3A : memref<!tpu.dma_semaphore, #tpu.memory_space<semaphore_mem>>) src(%dma_wait3A_76 : memref<632x64xf32, #tpu.memory_space<vmem_shared>>) dst(%dma_wait3A_74 : memref<632x64xf32, #tpu.memory_space<hbm>>)
      tpu.yield
    }) : () -> ()
    return
  }
}

module attributes {stable_mosaic.version = 14 : i64} {
  func.func @_t1_body(%arg0: i32, %arg1: memref<2000x128xf32, #tpu.memory_space<vmem>>, %arg2: memref<128x64xf32, #tpu.memory_space<vmem>>, %arg3: memref<2000x80xf32, #tpu.memory_space<vmem>>) attributes {dimension_semantics = [#tpu.dimension_semantics<arbitrary>], iteration_bounds = array<i64: 5>, scalar_prefetch = 0 : i64, scratch_operands = 0 : i64, tpu.core_type = #tpu.core_type<tc>, window_params = [{transform_indices = @transform_0, window_bounds = array<i64: 2000, 128>}, {pipeline_mode = #tpu.pipeline_mode<synchronous>, transform_indices = @transform_1, window_bounds = array<i64: 128, 64>}, {transform_indices = @transform_2, window_bounds = array<i64: 2000, 80>}]} {
    %get3A = arith.constant 0 : index
    %get3A_0 = arith.constant 0 : index
    %get3A_1 = vector.load %arg1[%get3A, %get3A_0] : memref<2000x128xf32, #tpu.memory_space<vmem>>, vector<2000x128xf32>
    %get3A_2 = arith.constant 0 : index
    %get3A_3 = arith.constant 0 : index
    %get3A_4 = vector.load %arg2[%get3A_2, %get3A_3] : memref<128x64xf32, #tpu.memory_space<vmem>>, vector<128x64xf32>
    %dot_general3A = arith.constant dense<0.000000e+00> : vector<2000x64xf32>
    %dot_general3A_5 = tpu.matmul %get3A_1, %get3A_4, %dot_general3A {dimension_numbers = #tpu.dot_dimension_numbers<[1], [0], [0], [1], [0, 0, 1, 1], [], []>, transpose_lhs_hint = false} : vector<2000x128xf32>, vector<128x64xf32>, vector<2000x64xf32> -> vector<2000x64xf32>
    %iota3A = tpu.iota {dimensions = array<i32: 1>} : vector<2000x16xi32>
    %eq3A = arith.constant 0 : i32
    %eq3A_6 = vector.broadcast %eq3A : i32 to vector<2000x16xi32>
    %eq3A_7 = arith.cmpi eq, %iota3A, %eq3A_6 : vector<2000x16xi32>
    %jit3A = arith.constant 1.000000e+00 : f32
    %jit3A_8 = arith.constant 0.000000e+00 : f32
    %broadcast_in_dim3A = vector.broadcast %jit3A : f32 to vector<2000x16xf32>
    %broadcast_in_dim3A_9 = vector.broadcast %jit3A_8 : f32 to vector<2000x16xf32>
    %select_n3A = arith.select %eq3A_7, %broadcast_in_dim3A, %broadcast_in_dim3A_9 : vector<2000x16xi1>, vector<2000x16xf32>
    %concatenate3A = tpu.concatenate %dot_general3A_5, %select_n3A in 1 : vector<2000x64xf32>, vector<2000x16xf32> -> vector<2000x80xf32>
    %swap3A = arith.constant 0 : index
    %swap3A_10 = arith.constant 0 : index
    %swap3A_11 = vector.load %arg3[%swap3A, %swap3A_10] : memref<2000x80xf32, #tpu.memory_space<vmem>>, vector<2000x80xf32>
    tpu.vector_store %arg3[%swap3A, %swap3A_10], %concatenate3A {strides = array<i32>} : memref<2000x80xf32, #tpu.memory_space<vmem>>, vector<2000x80xf32>,
    return
  }
  func.func @transform_0(%arg0: i32) -> (i32, i32) {
    %c0_i32 = arith.constant 0 : i32
    %c0_i32_0 = arith.constant 0 : i32
    return %arg0, %c0_i32 : i32, i32
  }
  func.func @transform_1(%arg0: i32) -> (i32, i32) {
    %c0_i32 = arith.constant 0 : i32
    %c0_i32_0 = arith.constant 0 : i32
    %c0_i32_1 = arith.constant 0 : i32
    return %c0_i32, %c0_i32_0 : i32, i32
  }
  func.func @transform_2(%arg0: i32) -> (i32, i32) {
    %c0_i32 = arith.constant 0 : i32
    %c0_i32_0 = arith.constant 0 : i32
    return %arg0, %c0_i32 : i32, i32
  }
}

module attributes {stable_mosaic.version = 14 : i64} {
  func.func @_c_body(%arg0: i32, %arg1: memref<2x2000x80xf32, #tpu.memory_space<vmem>>, %arg2: memref<2000x128xf32, #tpu.memory_space<vmem>>, %arg3: memref<128x64xf32, #tpu.memory_space<vmem>>, %arg4: memref<1x64xf32, #tpu.memory_space<vmem>>, %arg5: memref<192x64xf32, #tpu.memory_space<vmem>>, %arg6: memref<1x64xf32, #tpu.memory_space<vmem>>, %arg7: memref<64x64xf32, #tpu.memory_space<vmem>>, %arg8: memref<64x64xf32, #tpu.memory_space<vmem>>, %arg9: memref<1x64xf32, #tpu.memory_space<vmem>>, %arg10: memref<2000x64xf32, #tpu.memory_space<vmem>>, %arg11: memref<2000x64xf32, #tpu.memory_space<vmem>>, %arg12: memref<2000x8xf32, #tpu.memory_space<vmem>>) attributes {dimension_semantics = [#tpu.dimension_semantics<arbitrary>], iteration_bounds = array<i64: 5>, scalar_prefetch = 0 : i64, scratch_operands = 0 : i64, tpu.core_type = #tpu.core_type<tc>, window_params = [{transform_indices = @transform_0, window_bounds = array<i64: 2, 2000, 80>}, {transform_indices = @transform_1, window_bounds = array<i64: 2000, 128>}, {pipeline_mode = #tpu.pipeline_mode<synchronous>, transform_indices = @transform_2, window_bounds = array<i64: 128, 64>}, {pipeline_mode = #tpu.pipeline_mode<synchronous>, transform_indices = @transform_3, window_bounds = array<i64: 1, 64>}, {pipeline_mode = #tpu.pipeline_mode<synchronous>, transform_indices = @transform_4, window_bounds = array<i64: 192, 64>}, {pipeline_mode = #tpu.pipeline_mode<synchronous>, transform_indices = @transform_5, window_bounds = array<i64: 1, 64>}, {pipeline_mode = #tpu.pipeline_mode<synchronous>, transform_indices = @transform_6, window_bounds = array<i64: 64, 64>}, {pipeline_mode = #tpu.pipeline_mode<synchronous>, transform_indices = @transform_7, window_bounds = array<i64: 64, 64>}, {pipeline_mode = #tpu.pipeline_mode<synchronous>, transform_indices = @transform_8, window_bounds = array<i64: 1, 64>}, {transform_indices = @transform_9, window_bounds = array<i64: 2000, 64>}, {transform_indices = @transform_10, window_bounds = array<i64: 2000, 64>}, {transform_indices = @transform_11, window_bounds = array<i64: 2000, 8>}]} {
    %get3A = arith.constant 0 : index
    %get3A_0 = arith.constant 0 : index
    %get3A_1 = arith.constant 0 : index
    %get3A_2 = vector.load %arg1[%get3A, %get3A_0, %get3A_1] : memref<2x2000x80xf32, #tpu.memory_space<vmem>>, vector<2x2000x80xf32>
    %slice3A = vector.extract_strided_slice %get3A_2 {offsets = [0, 0, 0], sizes = [1, 2000, 64], strides = [1, 1, 1]} : vector<2x2000x80xf32> to vector<1x2000x64xf32>
    %squeeze3A = vector.shape_cast %slice3A : vector<1x2000x64xf32> to vector<2000x64xf32>
    %slice3A_3 = vector.extract_strided_slice %get3A_2 {offsets = [1, 0, 0], sizes = [1, 2000, 64], strides = [1, 1, 1]} : vector<2x2000x80xf32> to vector<1x2000x64xf32>
    %squeeze3A_4 = vector.shape_cast %slice3A_3 : vector<1x2000x64xf32> to vector<2000x64xf32>
    %add3A = arith.addf %squeeze3A, %squeeze3A_4 : vector<2000x64xf32>
    %slice3A_5 = vector.extract_strided_slice %get3A_2 {offsets = [0, 0, 64], sizes = [1, 2000, 1], strides = [1, 1, 1]} : vector<2x2000x80xf32> to vector<1x2000x1xf32>
    %squeeze3A_6 = vector.shape_cast %slice3A_5 : vector<1x2000x1xf32> to vector<2000xf32>
    %slice3A_7 = vector.extract_strided_slice %get3A_2 {offsets = [1, 0, 64], sizes = [1, 2000, 1], strides = [1, 1, 1]} : vector<2x2000x80xf32> to vector<1x2000x1xf32>
    %squeeze3A_8 = vector.shape_cast %slice3A_7 : vector<1x2000x1xf32> to vector<2000xf32>
    %add3A_9 = arith.addf %squeeze3A_6, %squeeze3A_8 : vector<2000xf32>
    %max3A = arith.constant 1.000000e+00 : f32
    %max3A_10 = vector.broadcast %max3A : f32 to vector<2000xf32>
    %max3A_11 = arith.maximumf %add3A_9, %max3A_10 : vector<2000xf32>
    %broadcast_in_dim3A = vector.shape_cast %max3A_11 : vector<2000xf32> to vector<2000x1xf32>
    %div3A = vector.broadcast %broadcast_in_dim3A : vector<2000x1xf32> to vector<2000x64xf32>
    %div3A_12 = arith.divf %add3A, %div3A : vector<2000x64xf32>
    %get3A_13 = arith.constant 0 : index
    %get3A_14 = arith.constant 0 : index
    %get3A_15 = vector.load %arg2[%get3A_13, %get3A_14] : memref<2000x128xf32, #tpu.memory_space<vmem>>, vector<2000x128xf32>
    %get3A_16 = arith.constant 0 : index
    %get3A_17 = arith.constant 0 : index
    %get3A_18 = vector.load %arg3[%get3A_16, %get3A_17] : memref<128x64xf32, #tpu.memory_space<vmem>>, vector<128x64xf32>
    %dot_general3A = arith.constant dense<0.000000e+00> : vector<2000x64xf32>
    %dot_general3A_19 = tpu.matmul %get3A_15, %get3A_18, %dot_general3A {dimension_numbers = #tpu.dot_dimension_numbers<[1], [0], [0], [1], [0, 0, 1, 1], [], []>, transpose_lhs_hint = false} : vector<2000x128xf32>, vector<128x64xf32>, vector<2000x64xf32> -> vector<2000x64xf32>
    %add3A_20 = arith.addf %div3A_12, %dot_general3A_19 : vector<2000x64xf32>
    %get3A_21 = arith.constant 0 : index
    %get3A_22 = arith.constant 0 : index
    %get3A_23 = vector.load %arg4[%get3A_21, %get3A_22] : memref<1x64xf32, #tpu.memory_space<vmem>>, vector<1x64xf32>
    %add3A_24 = vector.broadcast %get3A_23 : vector<1x64xf32> to vector<2000x64xf32>
    %add3A_25 = arith.addf %add3A_20, %add3A_24 : vector<2000x64xf32>
    %mul3A = arith.mulf %add3A_25, %add3A_25 : vector<2000x64xf32>
    %reduce_sum3A = arith.constant dense<0.000000e+00> : vector<2000xf32>
    %reduce_sum3A_26 = vector.multi_reduction <add>, %mul3A, %reduce_sum3A [1] : vector<2000x64xf32> to vector<2000xf32>
    %broadcast_in_dim3A_27 = vector.shape_cast %reduce_sum3A_26 : vector<2000xf32> to vector<2000x1xf32>
    %sqrt3A = math.sqrt %broadcast_in_dim3A_27 : vector<2000x1xf32>
    %max3A_28 = arith.constant 9.99999996E-13 : f32
    %max3A_29 = vector.broadcast %max3A_28 : f32 to vector<2000x1xf32>
    %max3A_30 = arith.maximumf %sqrt3A, %max3A_29 : vector<2000x1xf32>
    %div3A_31 = vector.broadcast %max3A_30 : vector<2000x1xf32> to vector<2000x64xf32>
    %div3A_32 = arith.divf %add3A_25, %div3A_31 : vector<2000x64xf32>
    %max3A_33 = arith.constant 0.000000e+00 : f32
    %max3A_34 = vector.broadcast %max3A_33 : f32 to vector<2000x64xf32>
    %max3A_35 = arith.maximumf %div3A_32, %max3A_34 : vector<2000x64xf32>
    %get3A_36 = arith.constant 0 : index
    %get3A_37 = arith.constant 0 : index
    %get3A_38 = vector.load %arg5[%get3A_36, %get3A_37] : memref<192x64xf32, #tpu.memory_space<vmem>>, vector<192x64xf32>
    %slice3A_39 = vector.extract_strided_slice %get3A_38 {offsets = [0, 0], sizes = [128, 64], strides = [1, 1]} : vector<192x64xf32> to vector<128x64xf32>
    %dot_general3A_40 = arith.constant dense<0.000000e+00> : vector<2000x64xf32>
    %dot_general3A_41 = tpu.matmul %get3A_15, %slice3A_39, %dot_general3A_40 {dimension_numbers = #tpu.dot_dimension_numbers<[1], [0], [0], [1], [0, 0, 1, 1], [], []>, transpose_lhs_hint = false} : vector<2000x128xf32>, vector<128x64xf32>, vector<2000x64xf32> -> vector<2000x64xf32>
    %slice3A_42 = vector.extract_strided_slice %get3A_38 {offsets = [128, 0], sizes = [64, 64], strides = [1, 1]} : vector<192x64xf32> to vector<64x64xf32>
    %dot_general3A_43 = arith.constant dense<0.000000e+00> : vector<2000x64xf32>
    %dot_general3A_44 = tpu.matmul %max3A_35, %slice3A_42, %dot_general3A_43 {dimension_numbers = #tpu.dot_dimension_numbers<[1], [0], [0], [1], [0, 0, 1, 1], [], []>, transpose_lhs_hint = false} : vector<2000x64xf32>, vector<64x64xf32>, vector<2000x64xf32> -> vector<2000x64xf32>
    %add3A_45 = arith.addf %dot_general3A_41, %dot_general3A_44 : vector<2000x64xf32>
    %get3A_46 = arith.constant 0 : index
    %get3A_47 = arith.constant 0 : index
    %get3A_48 = vector.load %arg6[%get3A_46, %get3A_47] : memref<1x64xf32, #tpu.memory_space<vmem>>, vector<1x64xf32>
    %add3A_49 = vector.broadcast %get3A_48 : vector<1x64xf32> to vector<2000x64xf32>
    %add3A_50 = arith.addf %add3A_45, %add3A_49 : vector<2000x64xf32>
    %max3A_51 = arith.constant 0.000000e+00 : f32
    %max3A_52 = vector.broadcast %max3A_51 : f32 to vector<2000x64xf32>
    %max3A_53 = arith.maximumf %add3A_50, %max3A_52 : vector<2000x64xf32>
    %get3A_54 = arith.constant 0 : index
    %get3A_55 = arith.constant 0 : index
    %get3A_56 = vector.load %arg7[%get3A_54, %get3A_55] : memref<64x64xf32, #tpu.memory_space<vmem>>, vector<64x64xf32>
    %dot_general3A_57 = arith.constant dense<0.000000e+00> : vector<2000x64xf32>
    %dot_general3A_58 = tpu.matmul %max3A_53, %get3A_56, %dot_general3A_57 {dimension_numbers = #tpu.dot_dimension_numbers<[1], [0], [0], [1], [0, 0, 1, 1], [], []>, transpose_lhs_hint = false} : vector<2000x64xf32>, vector<64x64xf32>, vector<2000x64xf32> -> vector<2000x64xf32>
    %swap3A = arith.constant 0 : index
    %swap3A_59 = arith.constant 0 : index
    %swap3A_60 = vector.load %arg10[%swap3A, %swap3A_59] : memref<2000x64xf32, #tpu.memory_space<vmem>>, vector<2000x64xf32>
    tpu.vector_store %arg10[%swap3A, %swap3A_59], %dot_general3A_58 {strides = array<i32>} : memref<2000x64xf32, #tpu.memory_space<vmem>>, vector<2000x64xf32>,
    %get3A_61 = arith.constant 0 : index
    %get3A_62 = arith.constant 0 : index
    %get3A_63 = vector.load %arg8[%get3A_61, %get3A_62] : memref<64x64xf32, #tpu.memory_space<vmem>>, vector<64x64xf32>
    %dot_general3A_64 = arith.constant dense<0.000000e+00> : vector<2000x64xf32>
    %dot_general3A_65 = tpu.matmul %max3A_53, %get3A_63, %dot_general3A_64 {dimension_numbers = #tpu.dot_dimension_numbers<[1], [0], [0], [1], [0, 0, 1, 1], [], []>, transpose_lhs_hint = false} : vector<2000x64xf32>, vector<64x64xf32>, vector<2000x64xf32> -> vector<2000x64xf32>
    %get3A_66 = arith.constant 0 : index
    %get3A_67 = arith.constant 0 : index
    %get3A_68 = vector.load %arg9[%get3A_66, %get3A_67] : memref<1x64xf32, #tpu.memory_space<vmem>>, vector<1x64xf32>
    %add3A_69 = vector.broadcast %get3A_68 : vector<1x64xf32> to vector<2000x64xf32>
    %add3A_70 = arith.addf %dot_general3A_65, %add3A_69 : vector<2000x64xf32>
    %swap3A_71 = arith.constant 0 : index
    %swap3A_72 = arith.constant 0 : index
    %swap3A_73 = vector.load %arg11[%swap3A_71, %swap3A_72] : memref<2000x64xf32, #tpu.memory_space<vmem>>, vector<2000x64xf32>
    tpu.vector_store %arg11[%swap3A_71, %swap3A_72], %add3A_70 {strides = array<i32>} : memref<2000x64xf32, #tpu.memory_space<vmem>>, vector<2000x64xf32>,
    %broadcast_in_dim3A_74 = vector.shape_cast %max3A_11 : vector<2000xf32> to vector<2000x1xf32>
    %broadcast_in_dim3A_75 = vector.shape_cast %broadcast_in_dim3A_74 : vector<2000x1xf32> to vector<2000x1xf32>
    %broadcast_in_dim3A_76 = vector.broadcast %broadcast_in_dim3A_75 : vector<2000x1xf32> to vector<2000x8xf32>
    %swap3A_77 = arith.constant 0 : index
    %swap3A_78 = arith.constant 0 : index
    %swap3A_79 = vector.load %arg12[%swap3A_77, %swap3A_78] : memref<2000x8xf32, #tpu.memory_space<vmem>>, vector<2000x8xf32>
    tpu.vector_store %arg12[%swap3A_77, %swap3A_78], %broadcast_in_dim3A_76 {strides = array<i32>} : memref<2000x8xf32, #tpu.memory_space<vmem>>, vector<2000x8xf32>,
    return
  }
  func.func @transform_0(%arg0: i32) -> (i32, i32, i32) {
    %c0_i32 = arith.constant 0 : i32
    %c0_i32_0 = arith.constant 0 : i32
    %c0_i32_1 = arith.constant 0 : i32
    return %c0_i32, %arg0, %c0_i32_0 : i32, i32, i32
  }
  func.func @transform_1(%arg0: i32) -> (i32, i32) {
    %c0_i32 = arith.constant 0 : i32
    %c0_i32_0 = arith.constant 0 : i32
    return %arg0, %c0_i32 : i32, i32
  }
  func.func @transform_2(%arg0: i32) -> (i32, i32) {
    %c0_i32 = arith.constant 0 : i32
    %c0_i32_0 = arith.constant 0 : i32
    %c0_i32_1 = arith.constant 0 : i32
    return %c0_i32, %c0_i32_0 : i32, i32
  }
  func.func @transform_3(%arg0: i32) -> (i32, i32) {
    %c0_i32 = arith.constant 0 : i32
    %c0_i32_0 = arith.constant 0 : i32
    %c0_i32_1 = arith.constant 0 : i32
    return %c0_i32, %c0_i32_0 : i32, i32
  }
  func.func @transform_4(%arg0: i32) -> (i32, i32) {
    %c0_i32 = arith.constant 0 : i32
    %c0_i32_0 = arith.constant 0 : i32
    %c0_i32_1 = arith.constant 0 : i32
    return %c0_i32, %c0_i32_0 : i32, i32
  }
  func.func @transform_5(%arg0: i32) -> (i32, i32) {
    %c0_i32 = arith.constant 0 : i32
    %c0_i32_0 = arith.constant 0 : i32
    %c0_i32_1 = arith.constant 0 : i32
    return %c0_i32, %c0_i32_0 : i32, i32
  }
  func.func @transform_6(%arg0: i32) -> (i32, i32) {
    %c0_i32 = arith.constant 0 : i32
    %c0_i32_0 = arith.constant 0 : i32
    %c0_i32_1 = arith.constant 0 : i32
    return %c0_i32, %c0_i32_0 : i32, i32
  }
  func.func @transform_7(%arg0: i32) -> (i32, i32) {
    %c0_i32 = arith.constant 0 : i32
    %c0_i32_0 = arith.constant 0 : i32
    %c0_i32_1 = arith.constant 0 : i32
    return %c0_i32, %c0_i32_0 : i32, i32
  }
  func.func @transform_8(%arg0: i32) -> (i32, i32) {
    %c0_i32 = arith.constant 0 : i32
    %c0_i32_0 = arith.constant 0 : i32
    %c0_i32_1 = arith.constant 0 : i32
    return %c0_i32, %c0_i32_0 : i32, i32
  }
  func.func @transform_9(%arg0: i32) -> (i32, i32) {
    %c0_i32 = arith.constant 0 : i32
    %c0_i32_0 = arith.constant 0 : i32
    return %arg0, %c0_i32 : i32, i32
  }
  func.func @transform_10(%arg0: i32) -> (i32, i32) {
    %c0_i32 = arith.constant 0 : i32
    %c0_i32_0 = arith.constant 0 : i32
    return %arg0, %c0_i32 : i32, i32
  }
  func.func @transform_11(%arg0: i32) -> (i32, i32) {
    %c0_i32 = arith.constant 0 : i32
    %c0_i32_0 = arith.constant 0 : i32
    return %arg0, %c0_i32 : i32, i32
  }
}

module attributes {stable_mosaic.version = 14 : i64} {
  func.func @_e_body(%arg0: i32, %arg1: memref<2x2000x64xf32, #tpu.memory_space<vmem>>, %arg2: memref<2000x64xf32, #tpu.memory_space<vmem>>, %arg3: memref<2000x8xf32, #tpu.memory_space<vmem>>, %arg4: memref<2000x64xf32, #tpu.memory_space<vmem>>) attributes {dimension_semantics = [#tpu.dimension_semantics<arbitrary>], iteration_bounds = array<i64: 5>, scalar_prefetch = 0 : i64, scratch_operands = 0 : i64, tpu.core_type = #tpu.core_type<tc>, window_params = [{transform_indices = @transform_0, window_bounds = array<i64: 2, 2000, 64>}, {transform_indices = @transform_1, window_bounds = array<i64: 2000, 64>}, {transform_indices = @transform_2, window_bounds = array<i64: 2000, 8>}, {transform_indices = @transform_3, window_bounds = array<i64: 2000, 64>}]} {
    %get3A = arith.constant 0 : index
    %get3A_0 = arith.constant 0 : index
    %get3A_1 = arith.constant 0 : index
    %get3A_2 = vector.load %arg1[%get3A, %get3A_0, %get3A_1] : memref<2x2000x64xf32, #tpu.memory_space<vmem>>, vector<2x2000x64xf32>
    %slice3A = vector.extract_strided_slice %get3A_2 {offsets = [0, 0, 0], sizes = [1, 2000, 64], strides = [1, 1, 1]} : vector<2x2000x64xf32> to vector<1x2000x64xf32>
    %squeeze3A = vector.shape_cast %slice3A : vector<1x2000x64xf32> to vector<2000x64xf32>
    %slice3A_3 = vector.extract_strided_slice %get3A_2 {offsets = [1, 0, 0], sizes = [1, 2000, 64], strides = [1, 1, 1]} : vector<2x2000x64xf32> to vector<1x2000x64xf32>
    %squeeze3A_4 = vector.shape_cast %slice3A_3 : vector<1x2000x64xf32> to vector<2000x64xf32>
    %add3A = arith.addf %squeeze3A, %squeeze3A_4 : vector<2000x64xf32>
    %get3A_5 = arith.constant 0 : index
    %get3A_6 = arith.constant 0 : index
    %get3A_7 = vector.load %arg3[%get3A_5, %get3A_6] : memref<2000x8xf32, #tpu.memory_space<vmem>>, vector<2000x8xf32>
    %slice3A_8 = vector.extract_strided_slice %get3A_7 {offsets = [0, 0], sizes = [2000, 1], strides = [1, 1]} : vector<2000x8xf32> to vector<2000x1xf32>
    %squeeze3A_9 = vector.shape_cast %slice3A_8 : vector<2000x1xf32> to vector<2000xf32>
    %broadcast_in_dim3A = vector.shape_cast %squeeze3A_9 : vector<2000xf32> to vector<2000x1xf32>
    %div3A = vector.broadcast %broadcast_in_dim3A : vector<2000x1xf32> to vector<2000x64xf32>
    %div3A_10 = arith.divf %add3A, %div3A : vector<2000x64xf32>
    %get3A_11 = arith.constant 0 : index
    %get3A_12 = arith.constant 0 : index
    %get3A_13 = vector.load %arg2[%get3A_11, %get3A_12] : memref<2000x64xf32, #tpu.memory_space<vmem>>, vector<2000x64xf32>
    %add3A_14 = arith.addf %div3A_10, %get3A_13 : vector<2000x64xf32>
    %mul3A = arith.mulf %add3A_14, %add3A_14 : vector<2000x64xf32>
    %reduce_sum3A = arith.constant dense<0.000000e+00> : vector<2000xf32>
    %reduce_sum3A_15 = vector.multi_reduction <add>, %mul3A, %reduce_sum3A [1] : vector<2000x64xf32> to vector<2000xf32>
    %broadcast_in_dim3A_16 = vector.shape_cast %reduce_sum3A_15 : vector<2000xf32> to vector<2000x1xf32>
    %sqrt3A = math.sqrt %broadcast_in_dim3A_16 : vector<2000x1xf32>
    %max3A = arith.constant 9.99999996E-13 : f32
    %max3A_17 = vector.broadcast %max3A : f32 to vector<2000x1xf32>
    %max3A_18 = arith.maximumf %sqrt3A, %max3A_17 : vector<2000x1xf32>
    %div3A_19 = vector.broadcast %max3A_18 : vector<2000x1xf32> to vector<2000x64xf32>
    %div3A_20 = arith.divf %add3A_14, %div3A_19 : vector<2000x64xf32>
    %swap3A = arith.constant 0 : index
    %swap3A_21 = arith.constant 0 : index
    %swap3A_22 = vector.load %arg4[%swap3A, %swap3A_21] : memref<2000x64xf32, #tpu.memory_space<vmem>>, vector<2000x64xf32>
    tpu.vector_store %arg4[%swap3A, %swap3A_21], %div3A_20 {strides = array<i32>} : memref<2000x64xf32, #tpu.memory_space<vmem>>, vector<2000x64xf32>,
    return
  }
  func.func @transform_0(%arg0: i32) -> (i32, i32, i32) {
    %c0_i32 = arith.constant 0 : i32
    %c0_i32_0 = arith.constant 0 : i32
    %c0_i32_1 = arith.constant 0 : i32
    return %c0_i32, %arg0, %c0_i32_0 : i32, i32, i32
  }
  func.func @transform_1(%arg0: i32) -> (i32, i32) {
    %c0_i32 = arith.constant 0 : i32
    %c0_i32_0 = arith.constant 0 : i32
    return %arg0, %c0_i32 : i32, i32
  }
  func.func @transform_2(%arg0: i32) -> (i32, i32) {
    %c0_i32 = arith.constant 0 : i32
    %c0_i32_0 = arith.constant 0 : i32
    return %arg0, %c0_i32 : i32, i32
  }
  func.func @transform_3(%arg0: i32) -> (i32, i32) {
    %c0_i32 = arith.constant 0 : i32
    %c0_i32_0 = arith.constant 0 : i32
    return %arg0, %c0_i32 : i32, i32
  }
}

</mosaic_0001>

<sc_bundles>
// kernel: kernel.10.cloned.1.call-start
scs
__scs_entry_jumppad:
0x0: {  	(pc) =	sbr.rel $0x88, $3  }
0x1: {  	(tag) =	ssettag $0x0;
	lr =	simm.s32 $0x1  }
0x2: {  	[smem:$0x3F97] =	sst lr;
	_ =	strace $0xD0000000  }
0x3: {  	_ = 	snop  }
0x4: {  	_ = 	snop  }
0x5: {  	_ = 	snop  }
0x6: {  	_ = 	snop  }
0x7: {  	_ = 	snop  }
__scs_overlays_trampoline_lowered:
0x8: {  	[smem:$0x3FA6] =	sst s0  }
0x9: {  	[smem:$0x3FA7] =	sst s1  }
0xa: {  	[smem:$0x3FA8] =	sst s2  }
0xb: {  	[smem:$0x3FA9] =	sst s3  }
0xc: {  	[smem:$0x3FAA] =	sst s4  }
0xd: {  	[smem:$0x3FAB] =	sst s5  }
0xe: {  	[smem:$0x3FAC] =	sst s6  }
0xf: {  	[smem:$0x3FAD] =	sst s7  }
0x10: {  	[smem:$0x3FAE] =	sst s8  }
0x11: {  	[smem:$0x3FAF] =	sst s9;
	s0 =	simm.s32 @!p0 $0x0  }
0x12: {  	s1 =	sld [smem:$0x3F95];
	s0 =	simm.s32 @p0 $0x1  }
0x13: {  	[smem:$0x3FB0] =	sst s0;
	s0 =	simm.s32 @!p1 $0x0  }
0x14: {  	s2 =	sld [smem:$0x3F94];
	s0 =	simm.s32 @p1 $0x1  }
0x15: {  	[smem:$0x3FB1] =	sst s0;
	s0 =	simm.s32 @!p2 $0x0  }
0x16: {  	s3 =	sld [smem:$0x3FDB];
	s0 =	simm.s32 @p2 $0x1  }
0x17: {  	s4 =	simm.s32 $0x1BF5;
	[smem:$0x3FB3] =	sst s0  }
0x18: {  	s0 =	sld [smem:$0x3F96];
	_ =	swait.ge [sflag:s4], $0x0  }
0x19: {  	s7 =	sld [smem:$0x3F97]  }
0x1a: {  	s8 =	sadd.s32 $0xFFFFE003, lr  }
0x1b: {  	s9 =	sadd.s32 $0xFFFFFEF7, lr;
	s5 =	simm.s32 $0xFFFFFFFF;
	p2 =	slt.u32 s8, $0xFFFFF086  }
0x1c: {  	p1 =	slt.u32 s9, $0xF7A;
	s5 =	simm.s32 @!p2 $0x0  }
0x1d: {  	s5 =	simm.s32 @p1 $0x1;
	p0 =	seq.s32 s7, s2  }
0x1e: {  	s7 =	smul.u32 @!p0 $0xF7A, s2;
	p2 =	seq.s32 @!p0 s5, $0x0  }
0x1f: {  	s9 =	smul.u32 $0xF7A, s1;
	s8 =	simm.s32 @!p0 $0x1BF5;
	p2 =	por !p2, p0  }
0x20: {  	[sflag:s8] =	ssyncset.s32 @!p0 $0xFFFFF086;
	s6 =	sadd.s32 @!p0 s3, s7;
	s7 =	simm.s32 @!p0 $0x108  }
0x21: {  	s3 =	sadd.s32 s3, s9;
	s6 =	sadd.s32 @!p0 $0x88, s6;
	s7 =	simm.s32 @p2 $0x1082  }
0x22: {  	[simem:s7], [sflag:s8] =	dma.local @!p0 [hbm:s6], $0xF7A  }
0x23: {  	s9 =	sor.u32 $0xD0000000, s2;
	s6 =	simm.s32 $0x108;
	_ =	swait.ge @!p0 [sflag:s8], $0x0  }
0x24: {  	s3 =	sadd.s32 $0x88, s3;
	s6 =	simm.s32 @!p1 $0x1082;
	[sflag:s4] =	ssyncset.s32 $0xFFFFF086  }
0x25: {  	[simem:s6], [sflag:s4] =	dma.local [hbm:s3], $0xF7A  }
0x26: {  	[smem:$0x3F97] =	sst s1;
	(tag) =	ssettag s2;
	_ =	strace s9  }
0x27: {  	s1 =	sld [smem:$0x3FA7]  }
0x28: {  	s2 =	sld [smem:$0x3FA8]  }
0x29: {  	s4 =	sld [smem:$0x3FAA]  }
0x2a: {  	p0 =	seq.s32 s5, $0x0;
	s5 =	sld [smem:$0x3FAB]  }
0x2b: {  	s6 =	sld [smem:$0x3FAC]  }
0x2c: {  	s7 =	sld [smem:$0x3FAD]  }
0x2d: {  	s3 =	simm.s32 $0x108;
	s8 =	sld [smem:$0x3FAE]  }
0x2e: {  	s3 =	simm.s32 @!p0 $0x1082;
	s9 =	sld [smem:$0x3FAF]  }
0x2f: {  	lr =	sadd.s32 s0, s3;
	s0 =	sld [smem:$0x3FA6]  }
0x30: {  	s3 =	sld [smem:$0x3FA9]  }
0x31: {  	[smem:$0x3FB2] =	sst s10  }
0x32: {  	s10 =	sld [smem:$0x3FB0];
	_ =	sdelay $0x3  }
0x33: {  	p0 =	seq.s32 s10, $0x1;
	s10 =	sld [smem:$0x3FB2];
	_ =	sdelay $0x3  }
0x34: {  	[smem:$0x3FB2] =	sst s10  }
0x35: {  	s10 =	sld [smem:$0x3FB1];
	_ =	sdelay $0x3  }
0x36: {  	p1 =	seq.s32 s10, $0x1;
	s10 =	sld [smem:$0x3FB2];
	_ =	sdelay $0x3  }
0x37: {  	[smem:$0x3FB2] =	sst s10  }
0x38: {  	s10 =	sld [smem:$0x3FB3]  }
0x39: {  	_ = 	snop;
	(pc) =	sbr.ind lr, $3  }
0x3a: {  	_ = 	snop  }
0x3b: {  	_ = 	snop  }
0x3c: {  	p2 =	seq.s32 s10, $0x1;
	s10 =	sld [smem:$0x3FB2]  }
0x3d: {  	_ =	shalt  }
0x3e: {  	_ =	shalt  }
0x3f: {  	_ =	shalt  }
0x40: {  	_ =	shalt  }
0x41: {  	_ =	shalt  }
0x42: {  	_ =	shalt  }
0x43: {  	_ =	shalt  }
0x44: {  	_ =	shalt  }
0x45: {  	_ =	shalt  }
0x46: {  	_ =	shalt  }
0x47: {  	_ =	shalt  }
0x48: {  	_ =	shalt  }
0x49: {  	_ =	shalt  }
0x4a: {  	_ =	shalt  }
0x4b: {  	_ =	shalt  }
0x4c: {  	_ =	shalt  }
0x4d: {  	_ =	shalt  }
0x4e: {  	_ =	shalt  }
0x4f: {  	_ =	shalt  }
0x50: {  	_ =	shalt  }
0x51: {  	_ =	shalt  }
0x52: {  	_ =	shalt  }
0x53: {  	_ =	shalt  }
0x54: {  	_ =	shalt  }
0x55: {  	_ =	shalt  }
0x56: {  	_ =	shalt  }
0x57: {  	_ =	shalt  }
0x58: {  	_ =	shalt  }
0x59: {  	_ =	shalt  }
0x5a: {  	_ =	shalt  }
0x5b: {  	_ =	shalt  }
0x5c: {  	_ =	shalt  }
0x5d: {  	_ =	shalt  }
0x5e: {  	_ =	shalt  }
0x5f: {  	_ =	shalt  }
0x60: {  	_ =	shalt  }
0x61: {  	_ =	shalt  }
0x62: {  	_ =	shalt  }
0x63: {  	_ =	shalt  }
0x64: {  	_ =	shalt  }
0x65: {  	_ =	shalt  }
0x66: {  	_ =	shalt  }
0x67: {  	_ =	shalt  }
0x68: {  	_ =	shalt  }
0x69: {  	_ =	shalt  }
0x6a: {  	_ =	shalt  }
0x6b: {  	_ =	shalt  }
0x6c: {  	_ =	shalt  }
0x6d: {  	_ =	shalt  }
0x6e: {  	_ =	shalt  }
0x6f: {  	_ =	shalt  }
0x70: {  	_ =	shalt  }
0x71: {  	_ =	shalt  }
0x72: {  	_ =	shalt  }
0x73: {  	_ =	shalt  }
0x74: {  	_ =	shalt  }
0x75: {  	_ =	shalt  }
0x76: {  	_ =	shalt  }
0x77: {  	_ =	shalt  }
0x78: {  	_ =	shalt  }
0x79: {  	_ =	shalt  }
0x7a: {  	_ =	shalt  }
0x7b: {  	_ =	shalt  }
0x7c: {  	_ =	shalt  }
0x7d: {  	_ =	shalt  }
0x7e: {  	_ =	shalt  }
0x7f: {  	_ =	shalt  }
0x80: {  	_ =	shalt  }
0x81: {  	_ =	shalt  }
0x82: {  	_ =	shalt  }
0x83: {  	_ =	shalt  }
0x84: {  	_ =	shalt  }
0x85: {  	_ =	shalt  }
0x86: {  	_ =	shalt  }
0x87: {  	_ =	shalt  }
.Lfunc_end0:
.L_simem_size_0:
called_computation.1_lowered:
.L_overlay_start_0:
0x88: {  	s2 =	sld [smem:$0x3FD9]  }
0x89: {  	s3 =	sld [smem:$0x3FFE];
	_ =	sdelay $0x1  }
0x8a: {  	s1 =	srdreg.scid  }
0x8b: {  	s0 =	sand.u32 $0x1, s1  }
0x8c: {  	s17 =	sshll.u32 s0, $0xA;
	s2 =	sadd.s32 s3, s2  }
0x8d: {  	s2 =	sadd.s32 s2, s17  }
0x8e: {  	[smem:$0x3FBE] =	sst s2  }
0x8f: {  	_ = 	snop  }
0x90: {  	s2 =	sld [smem:$0x3FD0];
	(tm) =	ssettm $0x1  }
0x91: {  	s18 =	sld [smem:$0x3FFB];
	_ =	sdelay $0x3  }
0x92: {  	_ =	strace s18  }
0x93: {  	s3 =	sld [smem:$0x3FFC];
	_ =	sdelay $0x3  }
0x94: {  	_ =	strace s3  }
0x95: {  	s3 =	sld [smem:$0x3FFD];
	_ =	sdelay $0x3  }
0x96: {  	_ =	strace s3  }
0x97: {  	_ =	strace $0x8FFFFFFF  }
0x98: {  	s19 =	sld [smem:$0x3FDB];
	_ =	sdelay $0x1  }
0x99: {  	s4 =	simm.s32 $_scs_section_size  }
0x9a: {  	s5 =	simm.s32 $_size__tile_overlayer_lowered;
	s6 =	simm.s32 $_tile_overlayer_lowered  }
0x9b: {  	s22 =	simm.s32 $0x1BFF;
	s21 =	sshll.u32 s6, $0x1;
	s3 =	sadd.s32 s4, s19  }
0x9c: {  	s7 =	simm.s32 $0x0;
	s20 =	sshll.u32 s5, $0x1;
	s5 =	sadd.s32 s21, s3  }
0x9d: {  	[timem:s7], [sflag:s22] =	dma.local [hbm:s5], s20  }
0x9e: {  	_ =	swait.ge [sflag:s22], s20  }
0x9f: {  	s4 =	ssub.s32 $0x0, s20;
	[sflag:s22] =	ssyncset.done $0x0  }
0xa0: {  	[sflag:s22] =	ssyncadd.s32 s4;
	_ =	sdelay $0x1  }
0xa1: {  	s23 =	simm.s32 $0x1B8B  }
0xa2: {  	_ =	swait.ge [sflag:s23], $0x1  }
0xa3: {  	[sflag:s23] =	ssyncset.done $0x0  }
0xa4: {  	s25 =	simm.s32 $0x1B8E;
	s24 =	sld [smem:$0x3FFE];
	[sflag:s23] =	ssyncadd.s32 $0xFFFFFFFF  }
0xa5: {  	s26 =	simm.s32 $execute0_lowered;
	[smem:$0x3FD2] =	sst s25  }
0xa6: {  	s5 =	sshll.u32 s26, $0x1;
	_ =	strace $0x80000049;
	[dreg:$0x1] =	wrdreg $0xFFFFFFFF  }
0xa7: {  	s28 =	simm.s32 $_size_execute0_lowered;
	s3 =	sadd.s32 s3, s5;
	[dreg:$0x0] =	wrdreg $0x0  }
0xa8: {  	s5 =	sshll.u32 s28, $0x1;
	[dreg:$0x2] =	wrdreg s3  }
0xa9: {  	[dreg:$0x3] =	wrdreg s5  }
0xaa: {  	[dreg:$0x4] =	wrdreg $0xC0  }
0xab: {  	_ =	task [dreg:s7], $0x5FFFF  }
0xac: {  	[dreg:$0x1] =	wrdreg $0xFFFFFFFF  }
0xad: {  	[dreg:$0x0] =	wrdreg $0x60  }
0xae: {  	[dreg:$0x2] =	wrdreg s24  }
0xaf: {  	[dreg:$0x3] =	wrdreg s2  }
0xb0: {  	[dreg:$0x4] =	wrdreg $0x10F000  }
0xb1: {  	[dreg:$0x5] =	wrdreg $0x9  }
0xb2: {  	_ =	task.clear_ibuf [dreg:s7], $0x6FFFF;
	_ =	strace $0x90000049  }
0xb3: {  	s29 =	simm.s32 $0x9;
	_ =	strace $0x8000004B  }
0xb4: {  	_ =	swait.ge [sflag:s29], $0x1  }
0xb5: {  	[sflag:s29] =	ssyncadd.s32 $0xFFFFFFFF  }
0xb6: {  	_ =	strace $0x9000004B  }
0xb7: {  	_ =	sfence  }
0xb8: {  	s30 =	sld [smem:$0x0];
	_ =	sdelay $0x2  }
0xb9: {  	s31 =	sshll.u32 s1, $0xD;
	s1 =	sshrl.u32 s1, $0x2  }
0xba: {  	s3 =	sand.u32 $0x4000, s31;
	s1 =	sadd.s32 s1, s30  }
0xbb: {  	s0 =	sor.u32 s3, s0;
	s1 =	sshll.u32 s1, $0x11  }
0xbc: {  	s0 =	sor.u32 s1, s0  }
0xbd: {  	s0 =	sadd.s32 $0x8F2B, s0  }
0xbe: {  	[sflag:s0] =	ssyncadd.remote.s32 $0x1  }
0xbf: {  	_ =	sfence.sel $0xFFFF  }
0xc0: {  	[dreg:$0x0] =	wrdreg $0xFFFFFFFF;
	(pc) =	sbr.abs _section_cstart, $3  }
0xc1: {  	[dreg:$0x1] =	wrdreg $0xFFFFFFFF  }
0xc2: {  	_ =	task.clear_ibuf [dreg:s7], $0x2FFFF;
	_ =	strace $0x9FFFFFFF  }
0xc3: {  	(tm) =	ssettm $0x7FFFFFFF  }
tec
execute0_lowered:
.L_overlay_start_1:
0x0: {  	(tag) =	ssettag $0x1  }
0x1: {  	s5 =	rddreg [dreg:$0x0]  }
0x2: {  	s6 =	rddreg [dreg:$0x1]  }
0x3: {  	s2 =	rddreg [dreg:$0x2];
	s3 =	simm.s32 $0x0  }
0x4: {  	s4 =	srdreg.scid;
	s0 =	stileid.u32;
	s13 =	simm.s32 $0x80  }
0x5: {  	s15 =	simm.s32 $0x6F00;
	s16 =	simm.s32 $0x100;
	s17 =	simm.s32 $0x8F00  }
0x6: {  	s18 =	simm.s32 $0x180;
	s19 =	simm.s32 $0xAF00;
	s20 =	simm.s32 $0x200  }
0x7: {  	s21 =	simm.s32 $0xCF00;
	s22 =	simm.s32 $0x1;
	s23 =	simm.s32 $0x0  }
0x8: {  	s7 =	sand.u32 $0x1, s4;
	s29 =	sshll.u32 s0, $0x1;
	s8 =	smul.u32 $0x9E00, s0  }
0x9: {  	[smem:$0x7FF] =	sst s3;
	s31 =	sshll.u32 s0, $0x6;
	s4 =	sor.u32 s7, s29  }
0xa: {  	s9 =	smul.u32 $0x9E000, s7;
	_ =	strace $0x8000004A;
	s7 =	ssub.s32 $0x2, s7  }
0xb: {  	s10 =	smul.u32 $0x4F0, s4;
	s4 =	sadd.s32 $0x15600, s5;
	s11 =	sshrl.u32 s7, $0x1  }
0xc: {  	s30 =	sshrl.u32 s8, $0x3;
	s12 =	sadd.s32 s8, s2;
	s9 =	sadd.s32 s8, s9  }
0xd: {  	s11 =	ssub.s32 s7, s11;
	s10 =	sadd.s32 s10, s5;
	s9 =	sshrl.u32 s9, $0x3  }
0xe: {  	s9 =	sadd.s32 s9, s5;
	s5 =	sadd.s32 s6, s30;
	s6 =	sor.u32 $0x1C02, s31  }
0xf: {  	s7 =	sadd.s32 $0xB800, s10;
	s8 =	sadd.s32 $0x1A00, s10;
	s10 =	smax.u32 s11, $0x1  }
0x10: {  	s11 =	sshrl.u32 s12, $0x3;
	s12 =	simm.s32 $0x2;
	s9 =	sadd.s32 $0x29000, s9  }
.LBB2_1:
0x11: {  	[spmem:s11], [sflag:s6] =	dma.local [hbm:s5], $0x13C0  }
0x12: {  	_ =	swait.ge [sflag:s12], $0x13C0  }
0x13: {  	[sflag:s12] =	ssyncset.done $0x0  }
0x14: {  	[sflag:s12] =	ssyncadd.s32 $0xFFFFEC40  }
0x15: {  	[tilespmem:s3], [sflag:$0x2] =	stream.linear.gather [hbm4b:s7+s3], $0x2780, $0x38;
	[tilespmem:$0x1AD00] =	vst v63  }
0x16: {  	_ =	swait.ge [sflag:s12], $0x2780  }
0x17: {  	[sflag:s12] =	ssyncset.done $0x0  }
0x18: {  	s24 =	simm.s32 $0x2780;
	[sflag:s12] =	ssyncadd.s32 $0xFFFFD880  }
0x19: {  	[tilespmem:s24], [sflag:$0x2] =	stream.linear.gather [hbm4b:s8+s3], $0x2780, $0x38;
	[tilespmem:$0x1AD00] =	vst v63  }
0x1a: {  	_ =	swait.ge [sflag:s12], $0x2780  }
0x1b: {  	s0 =	simm.s32 $0x4F00;
	[sflag:s12] =	ssyncset.done $0x0  }
0x1c: {  	s25 =	simm.s32 $0x5;
	p0 =	por $0x0, $0x0;
	[sflag:s12] =	ssyncadd.s32 $0xFFFFD880  }
0x1d: {  	s26 =	simm.s32 $0x0;
	s25 =	smul.u32 @!p0 $0xAB, s25;
	[bflag:$0x0] =	sbarrier.arrive $0xFFFF  }
0x1e: {  	[tilespmem:s0], [sflag:$0x1] =	stream.indirect.gather [hbm4b:s4+s13], $0x40, s3, s13, $0xb8;
	[tilespmem:$0x1AD00] =	vst v63  }
0x1f: {  	s26 =	smul.u32 $0xAB, s26;
	s25 =	sshrl.u32 @!p0 s25, $0xA  }
0x20: {  	[tilespmem:s15], [sflag:$0x1] =	stream.indirect.gather [hbm4b:s4+s13], $0x40, s13, s13, $0xb8;
	[tilespmem:$0x1AD00] =	vst v63  }
0x21: {  	s26 =	sshrl.u32 s26, $0xA;
	s25 =	sand.u32 @!p0 $0x3F, s25  }
0x22: {  	[tilespmem:s17], [sflag:$0x1] =	stream.indirect.gather [hbm4b:s4+s13], $0x40, s16, s13, $0xb8;
	[tilespmem:$0x1AD00] =	vst v63  }
0x23: {  	s26 =	sand.u32 $0x3F, s26;
	s25 =	smul.u32 @!p0 $0x6, s25  }
0x24: {  	[tilespmem:s19], [sflag:$0x1] =	stream.indirect.gather [hbm4b:s4+s13], $0x40, s18, s13, $0xb8;
	[tilespmem:$0x1AD00] =	vst v63  }
0x25: {  	s28 =	simm.s32 $0x280;
	s26 =	smul.u32 $0x6, s26;
	s25 =	ssub.s32 @!p0 $0x5, s25  }
0x26: {  	[tilespmem:s21], [sflag:$0x1] =	stream.indirect.gather [hbm4b:s4+s13], $0x40, s20, s13, $0xb8;
	[tilespmem:$0x1AD00] =	vst v63  }
0x27: {  	s29 =	simm.s32 @!p0 $0x80;
	s25 =	sand.u32 @!p0 $0xFF, s25;
	_ =	swait.ge [sflag:s22], $0x2000  }
0x28: {  	s26 =	ssub.s32 $0x0, s26;
	s25 =	sshll.u32 @!p0 s25, $0xD;
	[sflag:s22] =	ssyncset.done $0x0  }
0x29: {  	s26 =	sand.u32 $0xFF, s26;
	s25 =	sadd.s32 @!p0 $0x4F00, s25;
	[sflag:s22] =	ssyncadd.s32 $0xFFFFE000  }
0x2a: {  	[tilespmem:s25], [sflag:$0x1] =	stream.indirect.gather @!p0 [hbm4b:s4+s29], $0x40, s28, s29, $0xb8;
	[tilespmem:$0x1AD00] =	vst v63  }
0x2b: {  	s30 =	sshll.u32 s26, $0xD;
	s26 =	simm.s32 $0x6;
	s28 =	simm.s32 $0x1  }
0x2c: {  	s14 =	sadd.s32 $0x4F00, s30;
	p0 =	por $0x0, $0x0;
	s30 =	smul.u32 $0xAB, s28  }
0x2d: {  	s31 =	smul.u32 @!p0 $0xAB, s26  }
0x2e: {  	[spmem:s2] =	stream.indirect.scatter.add.f32 [tilespmem:s14], [sflag:$0x2], $0x40, s24, s13, $0xb8;
	[tilespmem:$0x1AD00] =	vst v63  }
0x2f: {  	s29 =	simm.s32 $0x7;
	s25 =	simm.s32 $0x300;
	s24 =	simm.s32 $0x2800  }
.LBB2_2:
0x30: {  	s30 =	sshrl.u32 s30, $0xA;
	s31 =	sshrl.u32 @!p0 s31, $0xA  }
0x31: {  	_ =	swait.ge [sflag:s12], $0x2000;
	s0 =	smov.u32 s29;
	s1 =	smov.u32 s24  }
0x32: {  	s30 =	sand.u32 $0x3F, s30;
	s31 =	sand.u32 @!p0 $0x3F, s31;
	[sflag:s12] =	ssyncset.done $0x0  }
0x33: {  	s29 =	sadd.s32 $0x1, s29;
	s31 =	smul.u32 @!p0 $0x6, s31;
	[sflag:s12] =	ssyncadd.s32 $0xFFFFE000  }
0x34: {  	p1 =	sne.s32 s29, $0x54;
	s30 =	smul.u32 $0x6, s30  }
0x35: {  	s14 =	simm.s32 @!p0 $0x80;
	s31 =	ssub.s32 @!p0 s26, s31;
	s26 =	smov.u32 s0  }
0x36: {  	s0 =	ssub.s32 s28, s30;
	_ =	swait.ge [sflag:s22], $0x2000;
	s28 =	sand.u32 @!p0 $0xFF, s31  }
0x37: {  	s0 =	sand.u32 $0xFF, s0;
	[sflag:s22] =	ssyncset.done $0x0;
	s28 =	sshll.u32 @!p0 s28, $0xD  }
0x38: {  	s0 =	sshll.u32 s0, $0xD;
	[sflag:s22] =	ssyncadd.s32 $0xFFFFE000;
	s28 =	sadd.s32 @!p0 $0x4F00, s28  }
0x39: {  	[tilespmem:s28], [sflag:$0x1] =	stream.indirect.gather @!p0 [hbm4b:s4+s14], $0x40, s25, s14, $0xb8;
	[tilespmem:$0x1AD00] =	vst v63  }
.Ltmp0:
0x3a: {  	_ = 	snop;
	(pc) =	sbr.rel @p1 .LBB2_2-.Ltmp0, $4  }
0x3b: {  	s28 =	sadd.s32 $0xFFFFFFFB, s26  }
0x3c: {  	s0 =	sadd.s32 $0x4F00, s0;
	s30 =	smul.u32 $0xAB, s28;
	p0 =	sgt.u32 s28, $0x49  }
0x3d: {  	s24 =	sadd.s32 $0x80, s24;
	s25 =	sadd.s32 $0x80, s25;
	s31 =	smul.u32 @!p0 $0xAB, s26  }
0x3e: {  	[spmem:s2] =	stream.indirect.scatter.add.f32 [tilespmem:s0], [sflag:$0x2], $0x40, s1, s13, $0xb8;
	[tilespmem:$0x1AD00] =	vst v63  }
0x3f: {  	s0 =	sshrl.u32 @!p0 s31, $0xA  }
0x40: {  	s1 =	sshrl.u32 s30, $0xA;
	s0 =	sand.u32 @!p0 $0x3F, s0  }
0x41: {  	_ =	swait.ge [sflag:s12], $0x2000;
	s1 =	sand.u32 $0x3F, s1;
	s0 =	smul.u32 @!p0 $0x6, s0  }
0x42: {  	[sflag:s12] =	ssyncset.done $0x0;
	s1 =	smul.u32 $0x6, s1  }
0x43: {  	s14 =	simm.s32 @!p0 $0x80;
	[sflag:s12] =	ssyncadd.s32 $0xFFFFE000;
	s0 =	ssub.s32 @!p0 s26, s0  }
0x44: {  	_ =	swait.ge [sflag:s22], $0x2000;
	s1 =	ssub.s32 s28, s1;
	s0 =	sand.u32 @!p0 $0xFF, s0  }
0x45: {  	[sflag:s22] =	ssyncset.done $0x0;
	s1 =	sand.u32 $0xFF, s1;
	s0 =	sshll.u32 @!p0 s0, $0xD  }
0x46: {  	[sflag:s22] =	ssyncadd.s32 $0xFFFFE000;
	s1 =	sshll.u32 s1, $0xD;
	s0 =	sadd.s32 @!p0 $0x4F00, s0  }
0x47: {  	[tilespmem:s0], [sflag:$0x1] =	stream.indirect.gather @!p0 [hbm4b:s4+s14], $0x40, s25, s14, $0xb8;
	[tilespmem:$0x1AD00] =	vst v63  }
0x48: {  	s31 =	sadd.s32 $0x4F00, s1  }
0x49: {  	[spmem:s2] =	stream.indirect.scatter.add.f32 [tilespmem:s31], [sflag:$0x2], $0x40, s24, s13, $0xb8;
	[tilespmem:$0x1AD00] =	vst v63  }
0x4a: {  	_ =	swait.ge [sflag:s12], $0x2000  }
0x4b: {  	s23 =	sadd.s32 $0x1, s23;
	[sflag:s12] =	ssyncset.done $0x0  }
0x4c: {  	p0 =	sne.s32 s23, s10;
	[sflag:s12] =	ssyncadd.s32 $0xFFFFE000  }
.Ltmp1:
0x4d: {  	[bflag:$0x0] =	sbarrier.arrive $0xFFFF;
	(pc) =	sbr.rel @p0 .LBB2_1-.Ltmp1, $4  }
0x4e: {  	[hbm:s9], [sflag:s6] =	dma.local [spmem:s11], $0x13C0  }
0x4f: {  	_ =	swait.ge [sflag:s12], $0x13C0  }
0x50: {  	[sflag:s12] =	ssyncset.done $0x0  }
0x51: {  	[sflag:s12] =	ssyncadd.s32 $0xFFFFEC40  }
0x52: {  	_ =	sfence.sel $0x180000  }
0x53: {  	[bflag:$0x0] =	sbarrier.arrive $0xFFFF  }
0x54: {  	_ =	strace $0x9000004A  }
0x55: {  	s0 =	stileid.u32;
	[bflag:$0x2] =	sbarrier.arrive $0xFFFF  }
0x56: {  	p0 =	sne.s32 s0, $0x0;
	s0 =	rddreg [dreg:$0x3]  }
0x57: {  	s0 =	sadd.s32 @!p0 $0x100000, s0  }
0x58: {  	[sflag:s0] =	ssyncadd.tile.s32 @!p0 $0x1;
	_ =	shalt  }
.Lfunc_end2:
_tile_overlayer_lowered:
.L_overlay_start_2:
0x59: {  	(tag) =	ssettag $0x2  }
0x5a: {  	s0 =	rddreg [dreg:$0x0];
	s2 =	stileid.u32  }
0x5b: {  	s1 =	rddreg [dreg:$0x1];
	p0 =	sne.s32 s2, $0x0  }
0x5c: {  	s3 =	rddreg [dreg:$0x2];
	[bflag:$0x3] =	sbarrier.arrive $0xFFFF;
	s2 =	simm.s32 @!p0 $0x1C02  }
0x5d: {  	[timem:s3], [sflag:s2] =	dma.local @!p0 [hbm:s0], s1  }
0x5e: {  	s0 =	simm.s32 @!p0 $0x2  }
0x5f: {  	_ =	swait.ge @!p0 [sflag:s0], s1  }
0x60: {  	s1 =	ssub.s32 @!p0 $0x0, s1;
	[sflag:s0] =	ssyncset.done @!p0 $0x0  }
0x61: {  	[sflag:s0] =	ssyncadd.s32 @!p0 s1  }
0x62: {  	[bflag:$0x3] =	sbarrier.arrive $0xFFFF  }
0x63: {  	_ =	shalt  }

// kernel: kernel.7.cloned.1.call-start
scs
__scs_entry_jumppad:
0x0: {  	(pc) =	sbr.rel $0x88, $3  }
0x1: {  	(tag) =	ssettag $0x0;
	lr =	simm.s32 $0x1  }
0x2: {  	[smem:$0x3F97] =	sst lr;
	_ =	strace $0xD0000000  }
0x3: {  	_ = 	snop  }
0x4: {  	_ = 	snop  }
0x5: {  	_ = 	snop  }
0x6: {  	_ = 	snop  }
0x7: {  	_ = 	snop  }
__scs_overlays_trampoline_lowered:
0x8: {  	[smem:$0x3FA6] =	sst s0  }
0x9: {  	[smem:$0x3FA7] =	sst s1  }
0xa: {  	[smem:$0x3FA8] =	sst s2  }
0xb: {  	[smem:$0x3FA9] =	sst s3  }
0xc: {  	[smem:$0x3FAA] =	sst s4  }
0xd: {  	[smem:$0x3FAB] =	sst s5  }
0xe: {  	[smem:$0x3FAC] =	sst s6  }
0xf: {  	[smem:$0x3FAD] =	sst s7  }
0x10: {  	[smem:$0x3FAE] =	sst s8  }
0x11: {  	[smem:$0x3FAF] =	sst s9;
	s0 =	simm.s32 @!p0 $0x0  }
0x12: {  	s1 =	sld [smem:$0x3F95];
	s0 =	simm.s32 @p0 $0x1  }
0x13: {  	[smem:$0x3FB0] =	sst s0;
	s0 =	simm.s32 @!p1 $0x0  }
0x14: {  	s2 =	sld [smem:$0x3F94];
	s0 =	simm.s32 @p1 $0x1  }
0x15: {  	[smem:$0x3FB1] =	sst s0;
	s0 =	simm.s32 @!p2 $0x0  }
0x16: {  	s3 =	sld [smem:$0x3FDB];
	s0 =	simm.s32 @p2 $0x1  }
0x17: {  	s4 =	simm.s32 $0x1BF5;
	[smem:$0x3FB3] =	sst s0  }
0x18: {  	s0 =	sld [smem:$0x3F96];
	_ =	swait.ge [sflag:s4], $0x0  }
0x19: {  	s7 =	sld [smem:$0x3F97]  }
0x1a: {  	s8 =	sadd.s32 $0xFFFFE003, lr  }
0x1b: {  	s9 =	sadd.s32 $0xFFFFFEF7, lr;
	s5 =	simm.s32 $0xFFFFFFFF;
	p2 =	slt.u32 s8, $0xFFFFF086  }
0x1c: {  	p1 =	slt.u32 s9, $0xF7A;
	s5 =	simm.s32 @!p2 $0x0  }
0x1d: {  	s5 =	simm.s32 @p1 $0x1;
	p0 =	seq.s32 s7, s2  }
0x1e: {  	s7 =	smul.u32 @!p0 $0xF7A, s2;
	p2 =	seq.s32 @!p0 s5, $0x0  }
0x1f: {  	s9 =	smul.u32 $0xF7A, s1;
	s8 =	simm.s32 @!p0 $0x1BF5;
	p2 =	por !p2, p0  }
0x20: {  	[sflag:s8] =	ssyncset.s32 @!p0 $0xFFFFF086;
	s6 =	sadd.s32 @!p0 s3, s7;
	s7 =	simm.s32 @!p0 $0x108  }
0x21: {  	s3 =	sadd.s32 s3, s9;
	s6 =	sadd.s32 @!p0 $0x88, s6;
	s7 =	simm.s32 @p2 $0x1082  }
0x22: {  	[simem:s7], [sflag:s8] =	dma.local @!p0 [hbm:s6], $0xF7A  }
0x23: {  	s9 =	sor.u32 $0xD0000000, s2;
	s6 =	simm.s32 $0x108;
	_ =	swait.ge @!p0 [sflag:s8], $0x0  }
0x24: {  	s3 =	sadd.s32 $0x88, s3;
	s6 =	simm.s32 @!p1 $0x1082;
	[sflag:s4] =	ssyncset.s32 $0xFFFFF086  }
0x25: {  	[simem:s6], [sflag:s4] =	dma.local [hbm:s3], $0xF7A  }
0x26: {  	[smem:$0x3F97] =	sst s1;
	(tag) =	ssettag s2;
	_ =	strace s9  }
0x27: {  	s1 =	sld [smem:$0x3FA7]  }
0x28: {  	s2 =	sld [smem:$0x3FA8]  }
0x29: {  	s4 =	sld [smem:$0x3FAA]  }
0x2a: {  	p0 =	seq.s32 s5, $0x0;
	s5 =	sld [smem:$0x3FAB]  }
0x2b: {  	s6 =	sld [smem:$0x3FAC]  }
0x2c: {  	s7 =	sld [smem:$0x3FAD]  }
0x2d: {  	s3 =	simm.s32 $0x108;
	s8 =	sld [smem:$0x3FAE]  }
0x2e: {  	s3 =	simm.s32 @!p0 $0x1082;
	s9 =	sld [smem:$0x3FAF]  }
0x2f: {  	lr =	sadd.s32 s0, s3;
	s0 =	sld [smem:$0x3FA6]  }
0x30: {  	s3 =	sld [smem:$0x3FA9]  }
0x31: {  	[smem:$0x3FB2] =	sst s10  }
0x32: {  	s10 =	sld [smem:$0x3FB0];
	_ =	sdelay $0x3  }
0x33: {  	p0 =	seq.s32 s10, $0x1;
	s10 =	sld [smem:$0x3FB2];
	_ =	sdelay $0x3  }
0x34: {  	[smem:$0x3FB2] =	sst s10  }
0x35: {  	s10 =	sld [smem:$0x3FB1];
	_ =	sdelay $0x3  }
0x36: {  	p1 =	seq.s32 s10, $0x1;
	s10 =	sld [smem:$0x3FB2];
	_ =	sdelay $0x3  }
0x37: {  	[smem:$0x3FB2] =	sst s10  }
0x38: {  	s10 =	sld [smem:$0x3FB3]  }
0x39: {  	_ = 	snop;
	(pc) =	sbr.ind lr, $3  }
0x3a: {  	_ = 	snop  }
0x3b: {  	_ = 	snop  }
0x3c: {  	p2 =	seq.s32 s10, $0x1;
	s10 =	sld [smem:$0x3FB2]  }
0x3d: {  	_ =	shalt  }
0x3e: {  	_ =	shalt  }
0x3f: {  	_ =	shalt  }
0x40: {  	_ =	shalt  }
0x41: {  	_ =	shalt  }
0x42: {  	_ =	shalt  }
0x43: {  	_ =	shalt  }
0x44: {  	_ =	shalt  }
0x45: {  	_ =	shalt  }
0x46: {  	_ =	shalt  }
0x47: {  	_ =	shalt  }
0x48: {  	_ =	shalt  }
0x49: {  	_ =	shalt  }
0x4a: {  	_ =	shalt  }
0x4b: {  	_ =	shalt  }
0x4c: {  	_ =	shalt  }
0x4d: {  	_ =	shalt  }
0x4e: {  	_ =	shalt  }
0x4f: {  	_ =	shalt  }
0x50: {  	_ =	shalt  }
0x51: {  	_ =	shalt  }
0x52: {  	_ =	shalt  }
0x53: {  	_ =	shalt  }
0x54: {  	_ =	shalt  }
0x55: {  	_ =	shalt  }
0x56: {  	_ =	shalt  }
0x57: {  	_ =	shalt  }
0x58: {  	_ =	shalt  }
0x59: {  	_ =	shalt  }
0x5a: {  	_ =	shalt  }
0x5b: {  	_ =	shalt  }
0x5c: {  	_ =	shalt  }
0x5d: {  	_ =	shalt  }
0x5e: {  	_ =	shalt  }
0x5f: {  	_ =	shalt  }
0x60: {  	_ =	shalt  }
0x61: {  	_ =	shalt  }
0x62: {  	_ =	shalt  }
0x63: {  	_ =	shalt  }
0x64: {  	_ =	shalt  }
0x65: {  	_ =	shalt  }
0x66: {  	_ =	shalt  }
0x67: {  	_ =	shalt  }
0x68: {  	_ =	shalt  }
0x69: {  	_ =	shalt  }
0x6a: {  	_ =	shalt  }
0x6b: {  	_ =	shalt  }
0x6c: {  	_ =	shalt  }
0x6d: {  	_ =	shalt  }
0x6e: {  	_ =	shalt  }
0x6f: {  	_ =	shalt  }
0x70: {  	_ =	shalt  }
0x71: {  	_ =	shalt  }
0x72: {  	_ =	shalt  }
0x73: {  	_ =	shalt  }
0x74: {  	_ =	shalt  }
0x75: {  	_ =	shalt  }
0x76: {  	_ =	shalt  }
0x77: {  	_ =	shalt  }
0x78: {  	_ =	shalt  }
0x79: {  	_ =	shalt  }
0x7a: {  	_ =	shalt  }
0x7b: {  	_ =	shalt  }
0x7c: {  	_ =	shalt  }
0x7d: {  	_ =	shalt  }
0x7e: {  	_ =	shalt  }
0x7f: {  	_ =	shalt  }
0x80: {  	_ =	shalt  }
0x81: {  	_ =	shalt  }
0x82: {  	_ =	shalt  }
0x83: {  	_ =	shalt  }
0x84: {  	_ =	shalt  }
0x85: {  	_ =	shalt  }
0x86: {  	_ =	shalt  }
0x87: {  	_ =	shalt  }
.Lfunc_end0:
.L_simem_size_0:
called_computation_lowered:
.L_overlay_start_0:
0x88: {  	s2 =	sld [smem:$0x3FD9]  }
0x89: {  	s3 =	sld [smem:$0x3FFE];
	_ =	sdelay $0x1  }
0x8a: {  	s1 =	srdreg.scid  }
0x8b: {  	s0 =	sand.u32 $0x1, s1  }
0x8c: {  	s16 =	sshll.u32 s0, $0xA;
	s2 =	sadd.s32 s3, s2  }
0x8d: {  	s2 =	sadd.s32 s2, s16  }
0x8e: {  	[smem:$0x3FBE] =	sst s2  }
0x8f: {  	_ = 	snop  }
0x90: {  	(tm) =	ssettm $0x1  }
0x91: {  	s17 =	sld [smem:$0x3FFB];
	_ =	sdelay $0x3  }
0x92: {  	_ =	strace s17  }
0x93: {  	s2 =	sld [smem:$0x3FFC];
	_ =	sdelay $0x3  }
0x94: {  	_ =	strace s2  }
0x95: {  	s2 =	sld [smem:$0x3FFD];
	_ =	sdelay $0x3  }
0x96: {  	_ =	strace s2  }
0x97: {  	_ =	strace $0x8FFFFFFF  }
0x98: {  	s18 =	sld [smem:$0x3FDB];
	_ =	sdelay $0x1  }
0x99: {  	s19 =	simm.s32 $_scs_section_size  }
0x9a: {  	s4 =	simm.s32 $_size__tile_overlayer_lowered;
	s5 =	simm.s32 $_tile_overlayer_lowered  }
0x9b: {  	s22 =	simm.s32 $0x1BFF;
	s21 =	sshll.u32 s5, $0x1;
	s2 =	sadd.s32 s19, s18  }
0x9c: {  	s6 =	simm.s32 $0x0;
	s20 =	sshll.u32 s4, $0x1;
	s4 =	sadd.s32 s21, s2  }
0x9d: {  	[timem:s6], [sflag:s22] =	dma.local [hbm:s4], s20  }
0x9e: {  	_ =	swait.ge [sflag:s22], s20  }
0x9f: {  	s3 =	ssub.s32 $0x0, s20;
	[sflag:s22] =	ssyncset.done $0x0  }
0xa0: {  	[sflag:s22] =	ssyncadd.s32 s3;
	_ =	sdelay $0x1  }
0xa1: {  	s23 =	simm.s32 $0x1B8B  }
0xa2: {  	_ =	swait.ge [sflag:s23], $0x1  }
0xa3: {  	[sflag:s23] =	ssyncset.done $0x0  }
0xa4: {  	s25 =	simm.s32 $0x1B8E;
	s24 =	sld [smem:$0x3FFE];
	[sflag:s23] =	ssyncadd.s32 $0xFFFFFFFF  }
0xa5: {  	s26 =	simm.s32 $execute0_lowered;
	[smem:$0x3FD2] =	sst s25  }
0xa6: {  	s4 =	sshll.u32 s26, $0x1;
	_ =	strace $0x80000046;
	[dreg:$0x1] =	wrdreg $0xFFFFFFFF  }
0xa7: {  	s28 =	simm.s32 $_size_execute0_lowered;
	s2 =	sadd.s32 s2, s4;
	[dreg:$0x0] =	wrdreg $0x0  }
0xa8: {  	s4 =	sshll.u32 s28, $0x1;
	[dreg:$0x2] =	wrdreg s2  }
0xa9: {  	[dreg:$0x3] =	wrdreg s4  }
0xaa: {  	[dreg:$0x4] =	wrdreg $0xC0  }
0xab: {  	_ =	task [dreg:s6], $0x5FFFF  }
0xac: {  	[dreg:$0x1] =	wrdreg $0xFFFFFFFF  }
0xad: {  	[dreg:$0x0] =	wrdreg $0x60  }
0xae: {  	[dreg:$0x2] =	wrdreg s24  }
0xaf: {  	[dreg:$0x3] =	wrdreg $0xEF000  }
0xb0: {  	[dreg:$0x4] =	wrdreg $0x9  }
0xb1: {  	_ =	task.clear_ibuf [dreg:s6], $0x5FFFF;
	_ =	strace $0x90000046  }
0xb2: {  	s29 =	simm.s32 $0x9;
	_ =	strace $0x80000048  }
0xb3: {  	_ =	swait.ge [sflag:s29], $0x1  }
0xb4: {  	[sflag:s29] =	ssyncadd.s32 $0xFFFFFFFF  }
0xb5: {  	_ =	strace $0x90000048  }
0xb6: {  	_ =	sfence  }
0xb7: {  	s30 =	sld [smem:$0x0];
	_ =	sdelay $0x2  }
0xb8: {  	s31 =	sshll.u32 s1, $0xD;
	s1 =	sshrl.u32 s1, $0x2  }
0xb9: {  	s3 =	sand.u32 $0x4000, s31;
	s1 =	sadd.s32 s1, s30  }
0xba: {  	s0 =	sor.u32 s3, s0;
	s1 =	sshll.u32 s1, $0x11  }
0xbb: {  	s0 =	sor.u32 s1, s0  }
0xbc: {  	s0 =	sadd.s32 $0x8F2B, s0  }
0xbd: {  	[sflag:s0] =	ssyncadd.remote.s32 $0x1  }
0xbe: {  	_ =	sfence.sel $0xFFFF  }
0xbf: {  	[dreg:$0x0] =	wrdreg $0xFFFFFFFF;
	(pc) =	sbr.abs _section_cstart, $3  }
0xc0: {  	[dreg:$0x1] =	wrdreg $0xFFFFFFFF  }
0xc1: {  	_ =	task.clear_ibuf [dreg:s6], $0x2FFFF;
	_ =	strace $0x9FFFFFFF  }
0xc2: {  	(tm) =	ssettm $0x7FFFFFFF  }
0xc3: {  	_ =	shalt  }
tec
execute0_lowered:
.L_overlay_start_1:
0x0: {  	(tag) =	ssettag $0x1  }
0x1: {  	s1 =	srdreg.scid;
	s6 =	rddreg [dreg:$0x0]  }
0x2: {  	s0 =	stileid.u32;
	s2 =	rddreg [dreg:$0x1];
	s3 =	simm.s32 $0x0  }
0x3: {  	s14 =	simm.s32 $0x4F00;
	s15 =	simm.s32 $0x7700;
	s16 =	simm.s32 $0x100  }
0x4: {  	s17 =	simm.s32 $0x9F00;
	s18 =	simm.s32 $0x1;
	s19 =	simm.s32 $0x0  }
0x5: {  	s5 =	sand.u32 $0x1, s1;
	s26 =	sshll.u32 s0, $0x1;
	s8 =	smul.u32 $0xC580, s0  }
0x6: {  	[smem:$0x7FF] =	sst s3;
	s4 =	sadd.s32 $0x15600, s6;
	s31 =	sshll.u32 s0, $0x6  }
0x7: {  	s1 =	sor.u32 s5, s26;
	s9 =	smul.u32 $0xC5800, s5;
	s5 =	ssub.s32 $0x2, s5  }
0x8: {  	s7 =	smul.u32 $0x4F0, s1;
	s1 =	rddreg [dreg:$0x2];
	_ =	strace $0x80000047  }
0x9: {  	s29 =	sshrl.u32 s8, $0x3;
	s30 =	sshrl.u32 s5, $0x1;
	s13 =	sadd.s32 s8, s2  }
0xa: {  	s28 =	sadd.s32 s8, s9;
	s9 =	sadd.s32 s29, s6;
	s12 =	ssub.s32 s5, s30  }
0xb: {  	s10 =	sadd.s32 s7, s6;
	s7 =	sshrl.u32 s28, $0x3;
	s5 =	sadd.s32 $0x2DE00, s9  }
0xc: {  	s11 =	sadd.s32 s7, s6;
	s6 =	sor.u32 $0x1C02, s31;
	s7 =	sadd.s32 $0xB800, s10  }
0xd: {  	s8 =	sadd.s32 $0x1A00, s10;
	s10 =	smax.u32 s12, $0x1;
	s12 =	simm.s32 $0x2  }
0xe: {  	s9 =	sadd.s32 $0x46A00, s11;
	s11 =	sshrl.u32 s13, $0x3;
	s13 =	simm.s32 $0x80  }
.LBB2_1:
0xf: {  	[spmem:s11], [sflag:s6] =	dma.local [hbm:s5], $0x18B0  }
0x10: {  	_ =	swait.ge [sflag:s12], $0x18B0  }
0x11: {  	[sflag:s12] =	ssyncset.done $0x0  }
0x12: {  	[sflag:s12] =	ssyncadd.s32 $0xFFFFE750  }
0x13: {  	[tilespmem:s3], [sflag:$0x2] =	stream.linear.gather [hbm4b:s7+s3], $0x2780, $0x38;
	[tilespmem:$0x1B480] =	vst v63  }
0x14: {  	_ =	swait.ge [sflag:s12], $0x2780  }
0x15: {  	[sflag:s12] =	ssyncset.done $0x0  }
0x16: {  	s20 =	simm.s32 $0x2780;
	[sflag:s12] =	ssyncadd.s32 $0xFFFFD880  }
0x17: {  	[tilespmem:s20], [sflag:$0x2] =	stream.linear.gather [hbm4b:s8+s3], $0x2780, $0x38;
	[tilespmem:$0x1B480] =	vst v63  }
0x18: {  	_ =	swait.ge [sflag:s12], $0x2780  }
0x19: {  	[sflag:s12] =	ssyncset.done $0x0  }
0x1a: {  	s21 =	simm.s32 $0x3;
	p0 =	por $0x0, $0x0;
	[sflag:s12] =	ssyncadd.s32 $0xFFFFD880  }
0x1b: {  	s22 =	simm.s32 $0x0;
	s21 =	sand.u32 @!p0 $0x3, s21;
	[bflag:$0x0] =	sbarrier.arrive $0xFFFF  }
0x1c: {  	[tilespmem:s14], [sflag:$0x1] =	stream.indirect.gather [hbm4b:s4+s13], $0x50, s3, s13, $0xb8;
	[tilespmem:$0x1B480] =	vst v63  }
0x1d: {  	s22 =	sand.u32 $0x3, s22;
	s21 =	smul.u32 @!p0 $0xA000, s21  }
0x1e: {  	[tilespmem:s15], [sflag:$0x1] =	stream.indirect.gather [hbm4b:s4+s13], $0x50, s13, s13, $0xb8;
	[tilespmem:$0x1B480] =	vst v63  }
0x1f: {  	s22 =	smul.u32 $0xA000, s22  }
0x20: {  	[tilespmem:s17], [sflag:$0x1] =	stream.indirect.gather [hbm4b:s4+s13], $0x50, s16, s13, $0xb8;
	[tilespmem:$0x1B480] =	vst v63  }
0x21: {  	s23 =	simm.s32 $0x180;
	s24 =	simm.s32 @!p0 $0x80;
	_ =	swait.ge [sflag:s18], $0x2800  }
0x22: {  	s21 =	sshrl.u32 @!p0 s21, $0x2;
	s31 =	sshrl.u32 s22, $0x2;
	[sflag:s18] =	ssyncset.done $0x0  }
0x23: {  	s22 =	simm.s32 $0x4;
	s21 =	sadd.s32 @!p0 $0x4F00, s21;
	[sflag:s18] =	ssyncadd.s32 $0xFFFFD800  }
0x24: {  	[tilespmem:s21], [sflag:$0x1] =	stream.indirect.gather @!p0 [hbm4b:s4+s24], $0x50, s23, s24, $0xb8;
	[tilespmem:$0x1B480] =	vst v63  }
0x25: {  	s21 =	sadd.s32 $0x4F00, s31;
	s23 =	simm.s32 $0x5;
	s24 =	simm.s32 $0x1  }
0x26: {  	[spmem:s2] =	stream.indirect.scatter.add.f32 [tilespmem:s21], [sflag:$0x2], $0x50, s20, s13, $0xb8;
	[tilespmem:$0x1B480] =	vst v63  }
0x27: {  	s20 =	simm.s32 $0x2800;
	s21 =	simm.s32 $0x200;
	_ =	swait.ge [sflag:s12], $0x2800  }
.LBB2_2:
0x28: {  	p1 =	sgt.u32 s24, $0x4B;
	[sflag:s12] =	ssyncset.done $0x0  }
0x29: {  	s25 =	smov.u32 s23;
	s23 =	sadd.s32 $0x1, s23;
	s26 =	smov.u32 s20  }
0x2a: {  	p0 =	sne.s32 s23, $0x52;
	s22 =	sand.u32 @!p1 $0x3, s22;
	[sflag:s12] =	ssyncadd.s32 $0xFFFFD800  }
0x2b: {  	s28 =	smul.u32 @!p1 $0xA000, s22;
	s22 =	smov.u32 s25  }
0x2c: {  	s24 =	sand.u32 $0x3, s24;
	_ =	swait.ge [sflag:s18], $0x2800  }
0x2d: {  	s24 =	smul.u32 $0xA000, s24;
	[sflag:s18] =	ssyncset.done $0x0;
	s25 =	sshrl.u32 @!p1 s28, $0x2  }
0x2e: {  	s28 =	simm.s32 @!p1 $0x80;
	[sflag:s18] =	ssyncadd.s32 $0xFFFFD800;
	s25 =	sadd.s32 @!p1 $0x4F00, s25  }
0x2f: {  	[tilespmem:s25], [sflag:$0x1] =	stream.indirect.gather @!p1 [hbm4b:s4+s28], $0x50, s21, s28, $0xb8;
	[tilespmem:$0x1B480] =	vst v63  }
.Ltmp0:
0x30: {  	_ = 	snop;
	(pc) =	sbr.rel @p0 .LBB2_2-.Ltmp0, $4  }
0x31: {  	s24 =	sshrl.u32 s24, $0x2  }
0x32: {  	s20 =	sadd.s32 $0x80, s20;
	s24 =	sadd.s32 $0x4F00, s24  }
0x33: {  	[spmem:s2] =	stream.indirect.scatter.add.f32 [tilespmem:s24], [sflag:$0x2], $0x50, s26, s13, $0xb8;
	[tilespmem:$0x1B480] =	vst v63  }
0x34: {  	s21 =	sadd.s32 $0x80, s21;
	s24 =	sadd.s32 $0xFFFFFFFD, s22;
	_ =	swait.ge [sflag:s12], $0x2800  }
0x35: {  	p0 =	sgt.u32 s24, $0x4B  }
0x36: {  	[sflag:s12] =	ssyncset.done $0x0;
	s22 =	sand.u32 @!p0 $0x3, s22  }
0x37: {  	s23 =	sand.u32 $0x3, s24;
	[sflag:s12] =	ssyncadd.s32 $0xFFFFD800;
	s22 =	smul.u32 @!p0 $0xA000, s22  }
0x38: {  	s23 =	smul.u32 $0xA000, s23;
	_ =	swait.ge [sflag:s18], $0x2800  }
0x39: {  	s24 =	simm.s32 @!p0 $0x80;
	[sflag:s18] =	ssyncset.done $0x0;
	s22 =	sshrl.u32 @!p0 s22, $0x2  }
0x3a: {  	s31 =	sshrl.u32 s23, $0x2;
	[sflag:s18] =	ssyncadd.s32 $0xFFFFD800;
	s22 =	sadd.s32 @!p0 $0x4F00, s22  }
0x3b: {  	[tilespmem:s22], [sflag:$0x1] =	stream.indirect.gather @!p0 [hbm4b:s4+s24], $0x50, s21, s24, $0xb8;
	[tilespmem:$0x1B480] =	vst v63  }
0x3c: {  	s21 =	sadd.s32 $0x4F00, s31  }
0x3d: {  	[spmem:s2] =	stream.indirect.scatter.add.f32 [tilespmem:s21], [sflag:$0x2], $0x50, s20, s13, $0xb8;
	[tilespmem:$0x1B480] =	vst v63  }
0x3e: {  	_ =	swait.ge [sflag:s12], $0x2800  }
0x3f: {  	s19 =	sadd.s32 $0x1, s19;
	[sflag:s12] =	ssyncset.done $0x0  }
0x40: {  	p0 =	sne.s32 s19, s10;
	[sflag:s12] =	ssyncadd.s32 $0xFFFFD800  }
.Ltmp1:
0x41: {  	[bflag:$0x0] =	sbarrier.arrive $0xFFFF;
	(pc) =	sbr.rel @p0 .LBB2_1-.Ltmp1, $4  }
0x42: {  	[hbm:s9], [sflag:s6] =	dma.local [spmem:s11], $0x18B0  }
0x43: {  	_ =	swait.ge [sflag:s12], $0x18B0  }
0x44: {  	[sflag:s12] =	ssyncset.done $0x0  }
0x45: {  	[sflag:s12] =	ssyncadd.s32 $0xFFFFE750  }
0x46: {  	_ =	sfence.sel $0x180000  }
0x47: {  	[bflag:$0x0] =	sbarrier.arrive $0xFFFF  }
0x48: {  	p0 =	sne.s32 s0, $0x0;
	_ =	strace $0x90000047  }
0x49: {  	s0 =	sadd.s32 @!p0 $0x100000, s1;
	[bflag:$0x2] =	sbarrier.arrive $0xFFFF  }
0x4a: {  	[sflag:s0] =	ssyncadd.tile.s32 @!p0 $0x1;
	_ =	shalt  }
.Lfunc_end2:
_tile_overlayer_lowered:
.L_overlay_start_2:
0x4b: {  	(tag) =	ssettag $0x2  }
0x4c: {  	s0 =	rddreg [dreg:$0x0];
	s2 =	stileid.u32  }
0x4d: {  	s1 =	rddreg [dreg:$0x1];
	p0 =	sne.s32 s2, $0x0  }
0x4e: {  	s3 =	rddreg [dreg:$0x2];
	[bflag:$0x3] =	sbarrier.arrive $0xFFFF;
	s2 =	simm.s32 @!p0 $0x1C02  }
0x4f: {  	[timem:s3], [sflag:s2] =	dma.local @!p0 [hbm:s0], s1  }
0x50: {  	s0 =	simm.s32 @!p0 $0x2  }
0x51: {  	_ =	swait.ge @!p0 [sflag:s0], s1  }
0x52: {  	s1 =	ssub.s32 @!p0 $0x0, s1;
	[sflag:s0] =	ssyncset.done @!p0 $0x0  }
0x53: {  	[sflag:s0] =	ssyncadd.s32 @!p0 s1  }
0x54: {  	[bflag:$0x3] =	sbarrier.arrive $0xFFFF  }
0x55: {  	_ =	shalt  }

</sc_bundles>
